<compile_context>
chip_gen: v7x
topology: tpu7x:2x2x1
jax: 0.10.2.dev20260603
libtpu: 0.0.44.dev20260713+nightly
codegen_flags: <defaults>
</compile_context>

<pallas_src>
import functools

import jax
import jax.numpy as jnp
from jax import lax
from jax.experimental import pallas as pl
from jax.experimental.pallas import tpu as pltpu
from jax.experimental.pallas import tpu_sc as plsc

L = 16
NC = 2
NS = 16
NW = NC * NS

MAGIC = 12582912.0


def _build(T, F, E):
    INTER = F // 2
    ROWS = T // NW
    G = 8
    NB = ROWS // G
    WPR = INTER // 4
    NJ = INTER // L
    mesh = plsc.VectorSubcoreMesh(core_axis_name="c", subcore_axis_name="s",
                                  num_cores=NC, num_subcores=NS)

    @functools.partial(
        pl.kernel,
        out_type=[
            jax.ShapeDtypeStruct((T, WPR), jnp.int32),
            jax.ShapeDtypeStruct((T,), jnp.float32),
        ],
        mesh=mesh,
        compiler_params=pltpu.CompilerParams(needs_layout_passes=False),
        scratch_types=[
            pltpu.VMEM((E * INTER,), jnp.float32),
            pltpu.VMEM((G, F), jnp.float32),
            pltpu.VMEM((G, F), jnp.float32),
            pltpu.VMEM((ROWS,), jnp.int32),
            pltpu.VMEM((L,), jnp.int32),
            pltpu.VMEM((L,), jnp.int32),
            pltpu.VMEM((INTER,), jnp.float32),
            pltpu.VMEM((G, WPR), jnp.int32),
            pltpu.VMEM((G, WPR), jnp.int32),
            pltpu.VMEM((ROWS,), jnp.float32),
            pltpu.VMEM((L,), jnp.float32),
            pltpu.SemaphoreType.DMA,
            pltpu.SemaphoreType.DMA,
            pltpu.SemaphoreType.DMA,
            pltpu.SemaphoreType.DMA,
        ],
    )
    def body(in_hbm, scale_hbm, ids_hbm, topk_hbm, beta_hbm,
             q_hbm, qs_hbm,
             scale_v, rows0, rows1, ids_v, eids0, eids1, y_v, out0, out1,
             qs_v, beta_v, sem0, sem1, semo0, semo1):
        cid = lax.axis_index("c")
        sid = lax.axis_index("s")
        wid = sid * NC + cid
        base = wid * ROWS

        pltpu.sync_copy(beta_hbm, beta_v)
        pltpu.sync_copy(scale_hbm, scale_v)
        pltpu.sync_copy(ids_hbm.at[pl.ds(base, ROWS)], ids_v)

        iota = lax.broadcasted_iota(jnp.int32, (L,), 0)
        lane0 = iota == 0
        nbeta = -beta_v[...]

        def start(n, rows_b, eids_b, sem):
            idx = ids_v.at[pl.ds(n * G, G)]
            pltpu.async_copy(in_hbm.at[idx], rows_b, sem)
            pltpu.async_copy(topk_hbm.at[idx], eids_b.at[pl.ds(0, G)], sem)

        def wait(n, rows_b, eids_b, sem):
            idx = ids_v.at[pl.ds(n * G, G)]
            pltpu.make_async_copy(in_hbm.at[idx], rows_b, sem).wait()
            pltpu.make_async_copy(topk_hbm.at[idx], eids_b.at[pl.ds(0, G)],
                                  sem).wait()

        def compute(n, rows_b, eids_b, out_b, semo):
            rbase = n * G
            @pl.when(n >= 2)
            def _():
                pltpu.make_async_copy(
                    out_b, q_hbm.at[pl.ds(base + (n - 2) * G, G)],
                    semo).wait()

            @pl.loop(0, G)
            def _row(r):
                eid = plsc.load_gather(eids_b, [iota * 0 + r])
                sbase = eid * INTER + iota

                @plsc.parallel_loop(0, NJ, unroll=8,
                                    carry=jnp.zeros((L,), jnp.float32))
                def acc(j, a):
                    col = j * L
                    g = rows_b[r, pl.ds(col, L)]
                    u = rows_b[r, pl.ds(INTER + col, L)]
                    s = plsc.load_gather(scale_v, [sbase + col])
                    e = jnp.exp(g * nbeta)
                    y = (g * u * s) / (e + 1.0)
                    y_v[pl.ds(col, L)] = y
                    return jnp.maximum(a, jnp.abs(y))

                amax = jnp.broadcast_to(jnp.max(acc), (L,))
                qs = jnp.maximum(amax / 127.0, 1e-8)
                inv = 1.0 / qs
                plsc.store_scatter(qs_v, [iota * 0 + (rbase + r)], qs,
                                   mask=lane0)

                @plsc.parallel_loop(0, WPR // L, unroll=4)
                def _quant(m):
                    col = m * L
                    word = None
                    for k in range(4):
                        yv = y_v[pl.ds(k * WPR + col, L)]
                        x = (yv * inv + MAGIC) - MAGIC
                        q = x.astype(jnp.int32)
                        if k == 0:
                            w = q & 0xFF
                        elif k < 3:
                            w = (q & 0xFF) << (8 * k)
                        else:
                            w = q << 24
                        word = w if word is None else word | w
                    out_b[r, pl.ds(col, L)] = word

            pltpu.async_copy(out_b, q_hbm.at[pl.ds(base + rbase, G)], semo)

        start(0, rows0, eids0, sem0)

        @pl.loop(0, NB, step=2)
        def _batch(b):
            start(b + 1, rows1, eids1, sem1)
            wait(b, rows0, eids0, sem0)
            compute(b, rows0, eids0, out0, semo0)

            @pl.when(b + 2 < NB)
            def _():
                start(b + 2, rows0, eids0, sem0)

            wait(b + 1, rows1, eids1, sem1)
            compute(b + 1, rows1, eids1, out1, semo1)

        pltpu.make_async_copy(
            out0, q_hbm.at[pl.ds(base + (NB - 2) * G, G)], semo0).wait()
        pltpu.make_async_copy(
            out1, q_hbm.at[pl.ds(base + (NB - 1) * G, G)], semo1).wait()
        pltpu.sync_copy(qs_v, qs_hbm.at[pl.ds(base, ROWS)])

    return body


def kernel(input, smooth_scale, sorted_token_ids, topk_indices,
           fc1_intermediate_size, beta, quant_mode):
    T, F = input.shape
    E, INTER = smooth_scale.shape
    ids = sorted_token_ids.astype(jnp.int32)
    topk = topk_indices.reshape(-1).astype(jnp.int32)
    beta_vec = jnp.full((L,), beta, jnp.float32)
    q_words, qs = _build(T, F, E)(
        input, smooth_scale.reshape(-1), ids, topk, beta_vec)
    q = jnp.concatenate(
        [((q_words >> (8 * k)) & 0xFF).astype(jnp.int8) for k in range(4)],
        axis=1)
    return q, qs

# --- scband reference (transcript-rebuilt; emitter-appended) ---
"""Pipeline reference for scband-ixformer-fused-swi-glumo-escale-dynamic-quantize-80908593922367 (READ-ONLY COPY).

The authoritative reference and input builder live on the scoring server;
editing this copy changes nothing except your own understanding.
"""

import jax, jax.numpy as jnp
import numpy as np

T = 32768
NT = 16384
K = 2
E = 64
F = 2048

def setup_inputs(seed: int = 0) -> dict:
    key = jax.random.key(seed)
    k1, k2, k3, k4 = jax.random.split(key, 4)
    inp = jax.random.normal(k1, (T, F), dtype=jnp.float32)
    smooth_scale = jax.random.uniform(k2, (E, F // 2), dtype=jnp.float32, minval=0.5, maxval=1.5)
    sorted_token_ids = jax.random.randint(k3, (T,), 0, T).astype(jnp.int64)
    topk_indices = jax.random.randint(k4, (NT, K), 0, E).astype(jnp.int64)
    return {"input": inp, "smooth_scale": smooth_scale, "sorted_token_ids": sorted_token_ids, "topk_indices": topk_indices, "fc1_intermediate_size": F, "beta": jnp.float32(1.0), "quant_mode": jnp.int32(0)}

def reference(input, smooth_scale, sorted_token_ids, topk_indices, fc1_intermediate_size, beta=1.0, quant_mode=0):
    # Fused SwiGLU activation + per-expert smooth scaling + dynamic per-row int8 quantization
    fc1_static = input.shape[-1]
    beta = beta + 0.0 * fc1_intermediate_size
    x = input.reshape(-1, fc1_static)
    inter = fc1_static // 2
    gate = x[:, :inter]
    up = x[:, inter:]
    act = gate * jax.nn.sigmoid(beta * gate) * up  # swiglu
    # dst_to_src gather: output row dst reads activation row sorted_token_ids[dst]
    gathered = jnp.take(act, sorted_token_ids, axis=0)
    # expert id for each gathered row (topk_ids flattened over [num_tokens, top_k])
    expert_ids = jnp.take(topk_indices.reshape(-1), sorted_token_ids, axis=0)
    scales = jnp.take(smooth_scale, expert_ids, axis=0)
    y = gathered * scales
    # dynamic per-row symmetric int8 quantization
    amax = jnp.max(jnp.abs(y), axis=-1, keepdims=True)
    quant_scale = jnp.maximum(amax / 127.0, 1e-8)
    q = jnp.clip(jnp.round(y / quant_scale), -128, 127).astype(jnp.int8)
    return q, quant_scale.squeeze(-1)

if __name__ == "__main__":
    import jax
    _d = setup_inputs()
    print(jax.jit(kernel)(*tuple(_d.values())))

</pallas_src>

<mosaic_0001>
#map = affine_map<(d0, d1) -> (0, 0)>
#map1 = affine_map<(d0, d1) -> (0)>
module attributes {stable_mosaic.version = 14 : i64} {
  func.func @body(%arg0: i32, %arg1: i32, %arg2: memref<32768x2048xf32, #tpu.memory_space<hbm>>, %arg3: memref<65536xf32, #tpu.memory_space<hbm>>, %arg4: memref<32768xi32, #tpu.memory_space<hbm>>, %arg5: memref<32768xi32, #tpu.memory_space<hbm>>, %arg6: memref<16xf32, #tpu.memory_space<hbm>>, %arg7: memref<32768x256xi32, #tpu.memory_space<hbm>>, %arg8: memref<32768xf32, #tpu.memory_space<hbm>>, %arg9: memref<65536xf32, #tpu.memory_space<vmem>>, %arg10: memref<8x2048xf32, #tpu.memory_space<vmem>>, %arg11: memref<8x2048xf32, #tpu.memory_space<vmem>>, %arg12: memref<1024xi32, #tpu.memory_space<vmem>>, %arg13: memref<16xi32, #tpu.memory_space<vmem>>, %arg14: memref<16xi32, #tpu.memory_space<vmem>>, %arg15: memref<1024xf32, #tpu.memory_space<vmem>>, %arg16: memref<8x256xi32, #tpu.memory_space<vmem>>, %arg17: memref<8x256xi32, #tpu.memory_space<vmem>>, %arg18: memref<1024xf32, #tpu.memory_space<vmem>>, %arg19: memref<16xf32, #tpu.memory_space<vmem>>, %arg20: memref<!tpu.dma_semaphore, #tpu.memory_space<semaphore_mem>>, %arg21: memref<!tpu.dma_semaphore, #tpu.memory_space<semaphore_mem>>, %arg22: memref<!tpu.dma_semaphore, #tpu.memory_space<semaphore_mem>>, %arg23: memref<!tpu.dma_semaphore, #tpu.memory_space<semaphore_mem>>) attributes {dimension_semantics = [#tpu.dimension_semantics<core_parallel>, #tpu.dimension_semantics<subcore_parallel>], iteration_bounds = array<i64: 2, 16>, scalar_prefetch = 0 : i64, scratch_operands = 15 : i64, tpu.core_type = #tpu.core_type<sc_vector_subcore>, window_params = [{transform_indices = #map}, {transform_indices = #map1}, {transform_indices = #map1}, {transform_indices = #map1}, {transform_indices = #map1}, {transform_indices = #map}, {transform_indices = #map1}]} {
    %mul3A = arith.constant 2 : i32
    %mul3A_0 = arith.muli %arg1, %mul3A : i32
    %add3A = arith.addi %mul3A_0, %arg0 : i32
    %mul3A_1 = arith.constant 1024 : i32
    %mul3A_2 = arith.muli %add3A, %mul3A_1 : i32
    "tpu.region"() ({
      %run_scoped3A = tpu.sem_alloc : memref<!tpu.dma_semaphore, #tpu.memory_space<semaphore_mem>>
      tpu.enqueue_dma source(%arg6 : memref<16xf32, #tpu.memory_space<hbm>>) target(%arg19 : memref<16xf32, #tpu.memory_space<vmem>>) target_semaphore(%run_scoped3A : memref<!tpu.dma_semaphore, #tpu.memory_space<semaphore_mem>>)
      tpu.wait_dma2 semaphore(%run_scoped3A : memref<!tpu.dma_semaphore, #tpu.memory_space<semaphore_mem>>) src(%arg6 : memref<16xf32, #tpu.memory_space<hbm>>) dst(%arg19 : memref<16xf32, #tpu.memory_space<vmem>>)
      tpu.yield
    }) : () -> ()
    "tpu.region"() ({
      %run_scoped3A = tpu.sem_alloc : memref<!tpu.dma_semaphore, #tpu.memory_space<semaphore_mem>>
      tpu.enqueue_dma source(%arg3 : memref<65536xf32, #tpu.memory_space<hbm>>) target(%arg9 : memref<65536xf32, #tpu.memory_space<vmem>>) target_semaphore(%run_scoped3A : memref<!tpu.dma_semaphore, #tpu.memory_space<semaphore_mem>>)
      tpu.wait_dma2 semaphore(%run_scoped3A : memref<!tpu.dma_semaphore, #tpu.memory_space<semaphore_mem>>) src(%arg3 : memref<65536xf32, #tpu.memory_space<hbm>>) dst(%arg9 : memref<65536xf32, #tpu.memory_space<vmem>>)
      tpu.yield
    }) : () -> ()
    "tpu.region"() ({
      %run_scoped3A = tpu.sem_alloc : memref<!tpu.dma_semaphore, #tpu.memory_space<semaphore_mem>>
      %dma_start3A_33 = tpu.memref_slice %arg4[%mul3A_2] : memref<32768xi32, #tpu.memory_space<hbm>> -> memref<1024xi32, #tpu.memory_space<hbm>>
      %dma_start3A_34 = tpu.memref_slice %arg4[%mul3A_2] : memref<32768xi32, #tpu.memory_space<hbm>> -> memref<1024xi32, #tpu.memory_space<hbm>>
      tpu.enqueue_dma source(%dma_start3A_34 : memref<1024xi32, #tpu.memory_space<hbm>>) target(%arg12 : memref<1024xi32, #tpu.memory_space<vmem>>) target_semaphore(%run_scoped3A : memref<!tpu.dma_semaphore, #tpu.memory_space<semaphore_mem>>)
      %dma_wait3A_35 = tpu.memref_slice %arg4[%mul3A_2] : memref<32768xi32, #tpu.memory_space<hbm>> -> memref<1024xi32, #tpu.memory_space<hbm>>
      %dma_wait3A_36 = tpu.memref_slice %arg4[%mul3A_2] : memref<32768xi32, #tpu.memory_space<hbm>> -> memref<1024xi32, #tpu.memory_space<hbm>>
      tpu.wait_dma2 semaphore(%run_scoped3A : memref<!tpu.dma_semaphore, #tpu.memory_space<semaphore_mem>>) src(%dma_wait3A_36 : memref<1024xi32, #tpu.memory_space<hbm>>) dst(%arg12 : memref<1024xi32, #tpu.memory_space<vmem>>)
      tpu.yield
    }) : () -> ()
    %iota3A = tpu.iota {dimensions = array<i32: 0>} : vector<16xi32>
    %eq3A = arith.constant 0 : i32
    %eq3A_3 = vector.broadcast %eq3A : i32 to vector<16xi32>
    %eq3A_4 = arith.cmpi eq, %iota3A, %eq3A_3 : vector<16xi32>
    %get3A = arith.constant 0 : index
    %get3A_5 = tpu.vector_load %arg19[%get3A] {strides = array<i32>} : memref<16xf32, #tpu.memory_space<vmem>>, vector<16xf32>,
    %neg3A = arith.constant 0.000000e+00 : f32
    %neg3A_6 = vector.broadcast %neg3A : f32 to vector<16xf32>
    %neg3A_7 = arith.subf %neg3A_6, %get3A_5 : vector<16xf32>
    %dma_start3A = arith.constant 0 : i32
    %dma_start3A_8 = tpu.memref_slice %arg12[%dma_start3A] : memref<1024xi32, #tpu.memory_space<vmem>> -> memref<8xi32, #tpu.memory_space<vmem>>
    %dma_start3A_9 = arith.constant 0 : i32
    %dma_start3A_10 = arith.constant 0 : i32
    %dma_start3A_11 = tpu.memref_slice %arg2[%dma_start3A_9, %dma_start3A_10] : memref<32768x2048xf32, #tpu.memory_space<hbm>> -> memref<32768x2048xf32, #tpu.memory_space<hbm>>
    tpu.enqueue_indirect_dma source(%dma_start3A_11 : memref<32768x2048xf32, #tpu.memory_space<hbm>>) target(%arg10 : memref<8x2048xf32, #tpu.memory_space<vmem>>) offsets(%dma_start3A_8 : memref<8xi32, #tpu.memory_space<vmem>>) semaphore(%arg20 : memref<!tpu.dma_semaphore, #tpu.memory_space<semaphore_mem>>)
    %dma_start3A_12 = arith.constant 0 : i32
    %dma_start3A_13 = tpu.memref_slice %arg13[%dma_start3A_12] : memref<16xi32, #tpu.memory_space<vmem>> -> memref<8xi32, #tpu.memory_space<vmem>>
    %dma_start3A_14 = arith.constant 0 : i32
    %dma_start3A_15 = tpu.memref_slice %arg12[%dma_start3A_14] : memref<1024xi32, #tpu.memory_space<vmem>> -> memref<8xi32, #tpu.memory_space<vmem>>
    %dma_start3A_16 = arith.constant 0 : i32
    %dma_start3A_17 = tpu.memref_slice %arg5[%dma_start3A_16] : memref<32768xi32, #tpu.memory_space<hbm>> -> memref<32768xi32, #tpu.memory_space<hbm>>
    tpu.enqueue_indirect_dma source(%dma_start3A_17 : memref<32768xi32, #tpu.memory_space<hbm>>) target(%dma_start3A_13 : memref<8xi32, #tpu.memory_space<vmem>>) offsets(%dma_start3A_15 : memref<8xi32, #tpu.memory_space<vmem>>) semaphore(%arg20 : memref<!tpu.dma_semaphore, #tpu.memory_space<semaphore_mem>>)
    %scan3A = arith.constant 0 : i32
    %scan3A_18 = arith.constant 64 : i32
    %scan3A_19 = arith.addi %scan3A, %scan3A_18 : i32
    %scan3A_20 = arith.constant 1 : i32
    scf.for %scan3A_33 = %scan3A to %scan3A_19 step %scan3A_20  : i32 {
      %mul3A_34 = arith.constant 2 : i32
      %mul3A_35 = arith.muli %scan3A_33, %mul3A_34 : i32
      %add3A_36 = arith.constant 0 : i32
      %add3A_37 = arith.addi %add3A_36, %mul3A_35 : i32
      %add3A_38 = arith.constant 1 : i32
      %add3A_39 = arith.addi %add3A_37, %add3A_38 : i32
      %mul3A_40 = arith.constant 8 : i32
      %mul3A_41 = arith.muli %add3A_39, %mul3A_40 : i32
      %dma_start3A_42 = tpu.memref_slice %arg12[%mul3A_41] : memref<1024xi32, #tpu.memory_space<vmem>> -> memref<8xi32, #tpu.memory_space<vmem>>
      %dma_start3A_43 = arith.constant 0 : i32
      %dma_start3A_44 = arith.constant 0 : i32
      %dma_start3A_45 = tpu.memref_slice %arg2[%dma_start3A_43, %dma_start3A_44] : memref<32768x2048xf32, #tpu.memory_space<hbm>> -> memref<32768x2048xf32, #tpu.memory_space<hbm>>
      tpu.enqueue_indirect_dma source(%dma_start3A_45 : memref<32768x2048xf32, #tpu.memory_space<hbm>>) target(%arg11 : memref<8x2048xf32, #tpu.memory_space<vmem>>) offsets(%dma_start3A_42 : memref<8xi32, #tpu.memory_space<vmem>>) semaphore(%arg21 : memref<!tpu.dma_semaphore, #tpu.memory_space<semaphore_mem>>)
      %dma_start3A_46 = arith.constant 0 : i32
      %dma_start3A_47 = tpu.memref_slice %arg14[%dma_start3A_46] : memref<16xi32, #tpu.memory_space<vmem>> -> memref<8xi32, #tpu.memory_space<vmem>>
      %dma_start3A_48 = tpu.memref_slice %arg12[%mul3A_41] : memref<1024xi32, #tpu.memory_space<vmem>> -> memref<8xi32, #tpu.memory_space<vmem>>
      %dma_start3A_49 = arith.constant 0 : i32
      %dma_start3A_50 = tpu.memref_slice %arg5[%dma_start3A_49] : memref<32768xi32, #tpu.memory_space<hbm>> -> memref<32768xi32, #tpu.memory_space<hbm>>
      tpu.enqueue_indirect_dma source(%dma_start3A_50 : memref<32768xi32, #tpu.memory_space<hbm>>) target(%dma_start3A_47 : memref<8xi32, #tpu.memory_space<vmem>>) offsets(%dma_start3A_48 : memref<8xi32, #tpu.memory_space<vmem>>) semaphore(%arg21 : memref<!tpu.dma_semaphore, #tpu.memory_space<semaphore_mem>>)
      %mul3A_51 = arith.constant 8 : i32
      %mul3A_52 = arith.muli %add3A_37, %mul3A_51 : i32
      %dma_wait3A_53 = tpu.memref_slice %arg12[%mul3A_52] : memref<1024xi32, #tpu.memory_space<vmem>> -> memref<8xi32, #tpu.memory_space<vmem>>
      %dma_wait3A_54 = arith.constant 0 : i32
      %dma_wait3A_55 = arith.constant 0 : i32
      %dma_wait3A_56 = tpu.memref_slice %arg2[%dma_wait3A_54, %dma_wait3A_55] : memref<32768x2048xf32, #tpu.memory_space<hbm>> -> memref<32768x2048xf32, #tpu.memory_space<hbm>>
      tpu.wait_indirect_dma semaphore(%arg20 : memref<!tpu.dma_semaphore, #tpu.memory_space<semaphore_mem>>) src(%dma_wait3A_56 : memref<32768x2048xf32, #tpu.memory_space<hbm>>) dst(%arg10 : memref<8x2048xf32, #tpu.memory_space<vmem>>)
      %dma_wait3A_57 = arith.constant 0 : i32
      %dma_wait3A_58 = tpu.memref_slice %arg13[%dma_wait3A_57] : memref<16xi32, #tpu.memory_space<vmem>> -> memref<8xi32, #tpu.memory_space<vmem>>
      %dma_wait3A_59 = tpu.memref_slice %arg12[%mul3A_52] : memref<1024xi32, #tpu.memory_space<vmem>> -> memref<8xi32, #tpu.memory_space<vmem>>
      %dma_wait3A_60 = arith.constant 0 : i32
      %dma_wait3A_61 = tpu.memref_slice %arg5[%dma_wait3A_60] : memref<32768xi32, #tpu.memory_space<hbm>> -> memref<32768xi32, #tpu.memory_space<hbm>>
      tpu.wait_indirect_dma semaphore(%arg20 : memref<!tpu.dma_semaphore, #tpu.memory_space<semaphore_mem>>) src(%dma_wait3A_61 : memref<32768xi32, #tpu.memory_space<hbm>>) dst(%dma_wait3A_58 : memref<8xi32, #tpu.memory_space<vmem>>)
      %mul3A_62 = arith.constant 8 : i32
      %mul3A_63 = arith.muli %add3A_37, %mul3A_62 : i32
      %ge3A = arith.constant 2 : i32
      %ge3A_64 = arith.cmpi sge, %add3A_37, %ge3A : i32
      %convert_element_type3A = arith.extui %ge3A_64 : i1 to i32
      %cond3A = arith.constant 0 : i32
      %cond3A_65 = arith.cmpi ne, %convert_element_type3A, %cond3A : i32
      scf.if %cond3A_65 {
        %sub3A = arith.constant 2 : i32
        %sub3A_114 = arith.subi %add3A_37, %sub3A : i32
        %mul3A_115 = arith.constant 8 : i32
        %mul3A_116 = arith.muli %sub3A_114, %mul3A_115 : i32
        %add3A_117 = arith.addi %mul3A_2, %mul3A_116 : i32
        %dma_wait3A_118 = arith.constant 0 : i32
        %dma_wait3A_119 = tpu.memref_slice %arg7[%add3A_117, %dma_wait3A_118] : memref<32768x256xi32, #tpu.memory_space<hbm>> -> memref<8x256xi32, #tpu.memory_space<hbm>>
        %dma_wait3A_120 = arith.constant 0 : i32
        %dma_wait3A_121 = tpu.memref_slice %arg7[%add3A_117, %dma_wait3A_120] : memref<32768x256xi32, #tpu.memory_space<hbm>> -> memref<8x256xi32, #tpu.memory_space<hbm>>
        tpu.wait_dma2 semaphore(%arg22 : memref<!tpu.dma_semaphore, #tpu.memory_space<semaphore_mem>>) src(%arg16 : memref<8x256xi32, #tpu.memory_space<vmem>>) dst(%dma_wait3A_121 : memref<8x256xi32, #tpu.memory_space<hbm>>)
      } else {
      }
      %scan3A_66 = arith.constant 0 : i32
      %scan3A_67 = arith.constant 8 : i32
      %scan3A_68 = arith.addi %scan3A_66, %scan3A_67 : i32
      %scan3A_69 = arith.constant 1 : i32
      scf.for %scan3A_114 = %scan3A_66 to %scan3A_68 step %scan3A_69  : i32 {
        %mul3A_115 = arith.constant 1 : i32
        %mul3A_116 = arith.muli %scan3A_114, %mul3A_115 : i32
        %add3A_117 = arith.constant 0 : i32
        %add3A_118 = arith.addi %add3A_117, %mul3A_116 : i32
        %mul3A_119 = arith.constant 0 : i32
        %mul3A_120 = vector.broadcast %mul3A_119 : i32 to vector<16xi32>
        %mul3A_121 = arith.muli %iota3A, %mul3A_120 : vector<16xi32>
        %add3A_122 = vector.broadcast %add3A_118 : i32 to vector<16xi32>
        %add3A_123 = arith.addi %mul3A_121, %add3A_122 : vector<16xi32>
        %gather3A = tpu.vector_load_idx %arg13[%add3A_123] : memref<16xi32, #tpu.memory_space<vmem>>[vector<16xi32>], vector<16xi32>,
        %mul3A_124 = arith.constant 1024 : i32
        %mul3A_125 = vector.broadcast %mul3A_124 : i32 to vector<16xi32>
        %mul3A_126 = arith.muli %gather3A, %mul3A_125 : vector<16xi32>
        %add3A_127 = arith.addi %mul3A_126, %iota3A : vector<16xi32>
        %broadcast_in_dim3A = arith.constant 0.000000e+00 : f32
        %broadcast_in_dim3A_128 = vector.broadcast %broadcast_in_dim3A : f32 to vector<16xf32>
        %parallel_loop3A = arith.constant 0 : i32
        %parallel_loop3A_129 = arith.constant 64 : i32
        %parallel_loop3A_130 = arith.constant 1 : i32
        %parallel_loop3A_131 = scf.for %parallel_loop3A_152 = %parallel_loop3A to %parallel_loop3A_129 step %parallel_loop3A_130 iter_args(%parallel_loop3A_153 = %broadcast_in_dim3A_128) -> (vector<16xf32>)  : i32 {
          %parallel_loop3A_154 = arith.constant 16 : i32
          %parallel_loop3A_155 = arith.muli %parallel_loop3A_152, %parallel_loop3A_154 : i32
          %parallel_loop3A_156 = arith.index_cast %add3A_118 : i32 to index
          %parallel_loop3A_157 = arith.index_cast %parallel_loop3A_155 : i32 to index
          %parallel_loop3A_158 = tpu.vector_load %arg10[%parallel_loop3A_156, %parallel_loop3A_157] {strides = array<i32>} : memref<8x2048xf32, #tpu.memory_space<vmem>>, vector<16xf32>,
          %parallel_loop3A_159 = arith.constant 1024 : i32
          %parallel_loop3A_160 = arith.addi %parallel_loop3A_159, %parallel_loop3A_155 : i32
          %parallel_loop3A_161 = arith.index_cast %add3A_118 : i32 to index
          %parallel_loop3A_162 = arith.index_cast %parallel_loop3A_160 : i32 to index
          %parallel_loop3A_163 = tpu.vector_load %arg10[%parallel_loop3A_161, %parallel_loop3A_162] {strides = array<i32>} : memref<8x2048xf32, #tpu.memory_space<vmem>>, vector<16xf32>,
          %parallel_loop3A_164 = vector.broadcast %parallel_loop3A_155 : i32 to vector<16xi32>
          %parallel_loop3A_165 = arith.addi %add3A_127, %parallel_loop3A_164 : vector<16xi32>
          %parallel_loop3A_166 = tpu.vector_load_idx %arg9[%parallel_loop3A_165] : memref<65536xf32, #tpu.memory_space<vmem>>[vector<16xi32>], vector<16xf32>,
          %parallel_loop3A_167 = arith.mulf %parallel_loop3A_158, %neg3A_7 : vector<16xf32>
          %parallel_loop3A_168 = math.exp %parallel_loop3A_167 : vector<16xf32>
          %parallel_loop3A_169 = arith.mulf %parallel_loop3A_158, %parallel_loop3A_163 : vector<16xf32>
          %parallel_loop3A_170 = arith.mulf %parallel_loop3A_169, %parallel_loop3A_166 : vector<16xf32>
          %parallel_loop3A_171 = arith.constant 1.000000e+00 : f32
          %parallel_loop3A_172 = vector.broadcast %parallel_loop3A_171 : f32 to vector<16xf32>
          %parallel_loop3A_173 = arith.addf %parallel_loop3A_168, %parallel_loop3A_172 : vector<16xf32>
          %parallel_loop3A_174 = arith.divf %parallel_loop3A_170, %parallel_loop3A_173 : vector<16xf32>
          %parallel_loop3A_175 = arith.index_cast %parallel_loop3A_155 : i32 to index
          %parallel_loop3A_176 = tpu.vector_load %arg15[%parallel_loop3A_175] {strides = array<i32>} : memref<1024xf32, #tpu.memory_space<vmem>>, vector<16xf32>,
          tpu.vector_store %arg15[%parallel_loop3A_175], %parallel_loop3A_174 {strides = array<i32>} : memref<1024xf32, #tpu.memory_space<vmem>>, vector<16xf32>,
          %parallel_loop3A_177 = math.absf %parallel_loop3A_174 : vector<16xf32>
          %parallel_loop3A_178 = arith.maximumf %parallel_loop3A_153, %parallel_loop3A_177 : vector<16xf32>
          scf.yield %parallel_loop3A_178 : vector<16xf32>
        } {sc.loop_unroll_factor = 8 : i64, sc.parallel_access}
        %reduce_max3A = arith.constant true
        %reduce_max3A_132 = vector.broadcast %reduce_max3A : i1 to vector<16xi1>
        %reduce_max3A_133 = tpu.scan <max>, %parallel_loop3A_131 masked %reduce_max3A_132 : vector<16xf32>, vector<16xi1> -> vector<16xf32>
        %reduce_max3A_134 = vector.extract %reduce_max3A_133[15] : f32 from vector<16xf32>
        %broadcast_in_dim3A_135 = vector.broadcast %reduce_max3A_134 : f32 to vector<16xf32>
        %div3A = arith.constant 1.270000e+02 : f32
        %div3A_136 = vector.broadcast %div3A : f32 to vector<16xf32>
        %div3A_137 = arith.divf %broadcast_in_dim3A_135, %div3A_136 : vector<16xf32>
        %max3A = arith.constant 9.99999993E-9 : f32
        %max3A_138 = vector.broadcast %max3A : f32 to vector<16xf32>
        %max3A_139 = arith.maximumf %div3A_137, %max3A_138 : vector<16xf32>
        %div3A_140 = arith.constant 1.000000e+00 : f32
        %div3A_141 = vector.broadcast %div3A_140 : f32 to vector<16xf32>
        %div3A_142 = arith.divf %div3A_141, %max3A_139 : vector<16xf32>
        %mul3A_143 = arith.constant 0 : i32
        %mul3A_144 = vector.broadcast %mul3A_143 : i32 to vector<16xi32>
        %mul3A_145 = arith.muli %iota3A, %mul3A_144 : vector<16xi32>
        %add3A_146 = arith.addi %mul3A_63, %add3A_118 : i32
        %add3A_147 = vector.broadcast %add3A_146 : i32 to vector<16xi32>
        %add3A_148 = arith.addi %mul3A_145, %add3A_147 : vector<16xi32>
        tpu.vector_store_idx %arg18[%add3A_148], %max3A_139 masked %eq3A_4 : memref<1024xf32, #tpu.memory_space<vmem>>[vector<16xi32>], vector<16xf32>, vector<16xi1>
        %parallel_loop3A_149 = arith.constant 0 : i32
        %parallel_loop3A_150 = arith.constant 16 : i32
        %parallel_loop3A_151 = arith.constant 1 : i32
        scf.for %parallel_loop3A_152 = %parallel_loop3A_149 to %parallel_loop3A_150 step %parallel_loop3A_151  : i32 {
          %parallel_loop3A_153 = arith.constant 16 : i32
          %parallel_loop3A_154 = arith.muli %parallel_loop3A_152, %parallel_loop3A_153 : i32
          %parallel_loop3A_155 = arith.constant 0 : i32
          %parallel_loop3A_156 = arith.addi %parallel_loop3A_155, %parallel_loop3A_154 : i32
          %parallel_loop3A_157 = arith.index_cast %parallel_loop3A_156 : i32 to index
          %parallel_loop3A_158 = tpu.vector_load %arg15[%parallel_loop3A_157] {strides = array<i32>} : memref<1024xf32, #tpu.memory_space<vmem>>, vector<16xf32>,
          %parallel_loop3A_159 = arith.mulf %parallel_loop3A_158, %div3A_142 : vector<16xf32>
          %parallel_loop3A_160 = arith.constant 0x4B400000 : f32
          %parallel_loop3A_161 = vector.broadcast %parallel_loop3A_160 : f32 to vector<16xf32>
          %parallel_loop3A_162 = arith.addf %parallel_loop3A_159, %parallel_loop3A_161 : vector<16xf32>
          %parallel_loop3A_163 = arith.constant 0x4B400000 : f32
          %parallel_loop3A_164 = vector.broadcast %parallel_loop3A_163 : f32 to vector<16xf32>
          %parallel_loop3A_165 = arith.subf %parallel_loop3A_162, %parallel_loop3A_164 : vector<16xf32>
          %parallel_loop3A_166 = arith.fptosi %parallel_loop3A_165 : vector<16xf32> to vector<16xi32>
          %parallel_loop3A_167 = arith.constant 255 : i32
          %parallel_loop3A_168 = vector.broadcast %parallel_loop3A_167 : i32 to vector<16xi32>
          %parallel_loop3A_169 = arith.andi %parallel_loop3A_166, %parallel_loop3A_168 : vector<16xi32>
          %parallel_loop3A_170 = arith.constant 256 : i32
          %parallel_loop3A_171 = arith.addi %parallel_loop3A_170, %parallel_loop3A_154 : i32
          %parallel_loop3A_172 = arith.index_cast %parallel_loop3A_171 : i32 to index
          %parallel_loop3A_173 = tpu.vector_load %arg15[%parallel_loop3A_172] {strides = array<i32>} : memref<1024xf32, #tpu.memory_space<vmem>>, vector<16xf32>,
          %parallel_loop3A_174 = arith.mulf %parallel_loop3A_173, %div3A_142 : vector<16xf32>
          %parallel_loop3A_175 = arith.constant 0x4B400000 : f32
          %parallel_loop3A_176 = vector.broadcast %parallel_loop3A_175 : f32 to vector<16xf32>
          %parallel_loop3A_177 = arith.addf %parallel_loop3A_174, %parallel_loop3A_176 : vector<16xf32>
          %parallel_loop3A_178 = arith.constant 0x4B400000 : f32
          %parallel_loop3A_179 = vector.broadcast %parallel_loop3A_178 : f32 to vector<16xf32>
          %parallel_loop3A_180 = arith.subf %parallel_loop3A_177, %parallel_loop3A_179 : vector<16xf32>
          %parallel_loop3A_181 = arith.fptosi %parallel_loop3A_180 : vector<16xf32> to vector<16xi32>
          %parallel_loop3A_182 = arith.constant 255 : i32
          %parallel_loop3A_183 = vector.broadcast %parallel_loop3A_182 : i32 to vector<16xi32>
          %parallel_loop3A_184 = arith.andi %parallel_loop3A_181, %parallel_loop3A_183 : vector<16xi32>
          %parallel_loop3A_185 = arith.constant 8 : i32
          %parallel_loop3A_186 = vector.broadcast %parallel_loop3A_185 : i32 to vector<16xi32>
          %parallel_loop3A_187 = arith.shli %parallel_loop3A_184, %parallel_loop3A_186 : vector<16xi32>
          %parallel_loop3A_188 = arith.ori %parallel_loop3A_169, %parallel_loop3A_187 : vector<16xi32>
          %parallel_loop3A_189 = arith.constant 512 : i32
          %parallel_loop3A_190 = arith.addi %parallel_loop3A_189, %parallel_loop3A_154 : i32
          %parallel_loop3A_191 = arith.index_cast %parallel_loop3A_190 : i32 to index
          %parallel_loop3A_192 = tpu.vector_load %arg15[%parallel_loop3A_191] {strides = array<i32>} : memref<1024xf32, #tpu.memory_space<vmem>>, vector<16xf32>,
          %parallel_loop3A_193 = arith.mulf %parallel_loop3A_192, %div3A_142 : vector<16xf32>
          %parallel_loop3A_194 = arith.constant 0x4B400000 : f32
          %parallel_loop3A_195 = vector.broadcast %parallel_loop3A_194 : f32 to vector<16xf32>
          %parallel_loop3A_196 = arith.addf %parallel_loop3A_193, %parallel_loop3A_195 : vector<16xf32>
          %parallel_loop3A_197 = arith.constant 0x4B400000 : f32
          %parallel_loop3A_198 = vector.broadcast %parallel_loop3A_197 : f32 to vector<16xf32>
          %parallel_loop3A_199 = arith.subf %parallel_loop3A_196, %parallel_loop3A_198 : vector<16xf32>
          %parallel_loop3A_200 = arith.fptosi %parallel_loop3A_199 : vector<16xf32> to vector<16xi32>
          %parallel_loop3A_201 = arith.constant 255 : i32
          %parallel_loop3A_202 = vector.broadcast %parallel_loop3A_201 : i32 to vector<16xi32>
          %parallel_loop3A_203 = arith.andi %parallel_loop3A_200, %parallel_loop3A_202 : vector<16xi32>
          %parallel_loop3A_204 = arith.constant 16 : i32
          %parallel_loop3A_205 = vector.broadcast %parallel_loop3A_204 : i32 to vector<16xi32>
          %parallel_loop3A_206 = arith.shli %parallel_loop3A_203, %parallel_loop3A_205 : vector<16xi32>
          %parallel_loop3A_207 = arith.ori %parallel_loop3A_188, %parallel_loop3A_206 : vector<16xi32>
          %parallel_loop3A_208 = arith.constant 768 : i32
          %parallel_loop3A_209 = arith.addi %parallel_loop3A_208, %parallel_loop3A_154 : i32
          %parallel_loop3A_210 = arith.index_cast %parallel_loop3A_209 : i32 to index
          %parallel_loop3A_211 = tpu.vector_load %arg15[%parallel_loop3A_210] {strides = array<i32>} : memref<1024xf32, #tpu.memory_space<vmem>>, vector<16xf32>,
          %parallel_loop3A_212 = arith.mulf %parallel_loop3A_211, %div3A_142 : vector<16xf32>
          %parallel_loop3A_213 = arith.constant 0x4B400000 : f32
          %parallel_loop3A_214 = vector.broadcast %parallel_loop3A_213 : f32 to vector<16xf32>
          %parallel_loop3A_215 = arith.addf %parallel_loop3A_212, %parallel_loop3A_214 : vector<16xf32>
          %parallel_loop3A_216 = arith.constant 0x4B400000 : f32
          %parallel_loop3A_217 = vector.broadcast %parallel_loop3A_216 : f32 to vector<16xf32>
          %parallel_loop3A_218 = arith.subf %parallel_loop3A_215, %parallel_loop3A_217 : vector<16xf32>
          %parallel_loop3A_219 = arith.fptosi %parallel_loop3A_218 : vector<16xf32> to vector<16xi32>
          %parallel_loop3A_220 = arith.constant 24 : i32
          %parallel_loop3A_221 = vector.broadcast %parallel_loop3A_220 : i32 to vector<16xi32>
          %parallel_loop3A_222 = arith.shli %parallel_loop3A_219, %parallel_loop3A_221 : vector<16xi32>
          %parallel_loop3A_223 = arith.ori %parallel_loop3A_207, %parallel_loop3A_222 : vector<16xi32>
          %parallel_loop3A_224 = arith.index_cast %add3A_118 : i32 to index
          %parallel_loop3A_225 = arith.index_cast %parallel_loop3A_154 : i32 to index
          %parallel_loop3A_226 = tpu.vector_load %arg16[%parallel_loop3A_224, %parallel_loop3A_225] {strides = array<i32>} : memref<8x256xi32, #tpu.memory_space<vmem>>, vector<16xi32>,
          tpu.vector_store %arg16[%parallel_loop3A_224, %parallel_loop3A_225], %parallel_loop3A_223 {strides = array<i32>} : memref<8x256xi32, #tpu.memory_space<vmem>>, vector<16xi32>,
        } {sc.loop_unroll_factor = 4 : i64, sc.parallel_access}
      }
      %scan3A_70 = arith.constant 8 : i32
      %add3A_71 = arith.addi %mul3A_2, %mul3A_63 : i32
      %dma_start3A_72 = arith.constant 0 : i32
      %dma_start3A_73 = tpu.memref_slice %arg7[%add3A_71, %dma_start3A_72] : memref<32768x256xi32, #tpu.memory_space<hbm>> -> memref<8x256xi32, #tpu.memory_space<hbm>>
      %dma_start3A_74 = arith.constant 0 : i32
      %dma_start3A_75 = tpu.memref_slice %arg7[%add3A_71, %dma_start3A_74] : memref<32768x256xi32, #tpu.memory_space<hbm>> -> memref<8x256xi32, #tpu.memory_space<hbm>>
      tpu.enqueue_dma source(%arg16 : memref<8x256xi32, #tpu.memory_space<vmem>>) target(%dma_start3A_75 : memref<8x256xi32, #tpu.memory_space<hbm>>) target_semaphore(%arg22 : memref<!tpu.dma_semaphore, #tpu.memory_space<semaphore_mem>>)
      %add3A_76 = arith.constant 2 : i32
      %add3A_77 = arith.addi %add3A_37, %add3A_76 : i32
      %lt3A = arith.constant 128 : i32
      %lt3A_78 = arith.cmpi slt, %add3A_77, %lt3A : i32
      %convert_element_type3A_79 = arith.extui %lt3A_78 : i1 to i32
      %cond3A_80 = arith.constant 0 : i32
      %cond3A_81 = arith.cmpi ne, %convert_element_type3A_79, %cond3A_80 : i32
      scf.if %cond3A_81 {
        %add3A_114 = arith.constant 2 : i32
        %add3A_115 = arith.addi %add3A_37, %add3A_114 : i32
        %mul3A_116 = arith.constant 8 : i32
        %mul3A_117 = arith.muli %add3A_115, %mul3A_116 : i32
        %dma_start3A_118 = tpu.memref_slice %arg12[%mul3A_117] : memref<1024xi32, #tpu.memory_space<vmem>> -> memref<8xi32, #tpu.memory_space<vmem>>
        %dma_start3A_119 = arith.constant 0 : i32
        %dma_start3A_120 = arith.constant 0 : i32
        %dma_start3A_121 = tpu.memref_slice %arg2[%dma_start3A_119, %dma_start3A_120] : memref<32768x2048xf32, #tpu.memory_space<hbm>> -> memref<32768x2048xf32, #tpu.memory_space<hbm>>
        tpu.enqueue_indirect_dma source(%dma_start3A_121 : memref<32768x2048xf32, #tpu.memory_space<hbm>>) target(%arg10 : memref<8x2048xf32, #tpu.memory_space<vmem>>) offsets(%dma_start3A_118 : memref<8xi32, #tpu.memory_space<vmem>>) semaphore(%arg20 : memref<!tpu.dma_semaphore, #tpu.memory_space<semaphore_mem>>)
        %dma_start3A_122 = arith.constant 0 : i32
        %dma_start3A_123 = tpu.memref_slice %arg13[%dma_start3A_122] : memref<16xi32, #tpu.memory_space<vmem>> -> memref<8xi32, #tpu.memory_space<vmem>>
        %dma_start3A_124 = tpu.memref_slice %arg12[%mul3A_117] : memref<1024xi32, #tpu.memory_space<vmem>> -> memref<8xi32, #tpu.memory_space<vmem>>
        %dma_start3A_125 = arith.constant 0 : i32
        %dma_start3A_126 = tpu.memref_slice %arg5[%dma_start3A_125] : memref<32768xi32, #tpu.memory_space<hbm>> -> memref<32768xi32, #tpu.memory_space<hbm>>
        tpu.enqueue_indirect_dma source(%dma_start3A_126 : memref<32768xi32, #tpu.memory_space<hbm>>) target(%dma_start3A_123 : memref<8xi32, #tpu.memory_space<vmem>>) offsets(%dma_start3A_124 : memref<8xi32, #tpu.memory_space<vmem>>) semaphore(%arg20 : memref<!tpu.dma_semaphore, #tpu.memory_space<semaphore_mem>>)
      } else {
      }
      %add3A_82 = arith.constant 1 : i32
      %add3A_83 = arith.addi %add3A_37, %add3A_82 : i32
      %mul3A_84 = arith.constant 8 : i32
      %mul3A_85 = arith.muli %add3A_83, %mul3A_84 : i32
      %dma_wait3A_86 = tpu.memref_slice %arg12[%mul3A_85] : memref<1024xi32, #tpu.memory_space<vmem>> -> memref<8xi32, #tpu.memory_space<vmem>>
      %dma_wait3A_87 = arith.constant 0 : i32
      %dma_wait3A_88 = arith.constant 0 : i32
      %dma_wait3A_89 = tpu.memref_slice %arg2[%dma_wait3A_87, %dma_wait3A_88] : memref<32768x2048xf32, #tpu.memory_space<hbm>> -> memref<32768x2048xf32, #tpu.memory_space<hbm>>
      tpu.wait_indirect_dma semaphore(%arg21 : memref<!tpu.dma_semaphore, #tpu.memory_space<semaphore_mem>>) src(%dma_wait3A_89 : memref<32768x2048xf32, #tpu.memory_space<hbm>>) dst(%arg11 : memref<8x2048xf32, #tpu.memory_space<vmem>>)
      %dma_wait3A_90 = arith.constant 0 : i32
      %dma_wait3A_91 = tpu.memref_slice %arg14[%dma_wait3A_90] : memref<16xi32, #tpu.memory_space<vmem>> -> memref<8xi32, #tpu.memory_space<vmem>>
      %dma_wait3A_92 = tpu.memref_slice %arg12[%mul3A_85] : memref<1024xi32, #tpu.memory_space<vmem>> -> memref<8xi32, #tpu.memory_space<vmem>>
      %dma_wait3A_93 = arith.constant 0 : i32
      %dma_wait3A_94 = tpu.memref_slice %arg5[%dma_wait3A_93] : memref<32768xi32, #tpu.memory_space<hbm>> -> memref<32768xi32, #tpu.memory_space<hbm>>
      tpu.wait_indirect_dma semaphore(%arg21 : memref<!tpu.dma_semaphore, #tpu.memory_space<semaphore_mem>>) src(%dma_wait3A_94 : memref<32768xi32, #tpu.memory_space<hbm>>) dst(%dma_wait3A_91 : memref<8xi32, #tpu.memory_space<vmem>>)
      %add3A_95 = arith.constant 1 : i32
      %add3A_96 = arith.addi %add3A_37, %add3A_95 : i32
      %mul3A_97 = arith.constant 8 : i32
      %mul3A_98 = arith.muli %add3A_96, %mul3A_97 : i32
      %ge3A_99 = arith.constant 2 : i32
      %ge3A_100 = arith.cmpi sge, %add3A_96, %ge3A_99 : i32
      %convert_element_type3A_101 = arith.extui %ge3A_100 : i1 to i32
      %cond3A_102 = arith.constant 0 : i32
      %cond3A_103 = arith.cmpi ne, %convert_element_type3A_101, %cond3A_102 : i32
      scf.if %cond3A_103 {
        %sub3A = arith.constant 2 : i32
        %sub3A_114 = arith.subi %add3A_96, %sub3A : i32
        %mul3A_115 = arith.constant 8 : i32
        %mul3A_116 = arith.muli %sub3A_114, %mul3A_115 : i32
        %add3A_117 = arith.addi %mul3A_2, %mul3A_116 : i32
        %dma_wait3A_118 = arith.constant 0 : i32
        %dma_wait3A_119 = tpu.memref_slice %arg7[%add3A_117, %dma_wait3A_118] : memref<32768x256xi32, #tpu.memory_space<hbm>> -> memref<8x256xi32, #tpu.memory_space<hbm>>
        %dma_wait3A_120 = arith.constant 0 : i32
        %dma_wait3A_121 = tpu.memref_slice %arg7[%add3A_117, %dma_wait3A_120] : memref<32768x256xi32, #tpu.memory_space<hbm>> -> memref<8x256xi32, #tpu.memory_space<hbm>>
        tpu.wait_dma2 semaphore(%arg23 : memref<!tpu.dma_semaphore, #tpu.memory_space<semaphore_mem>>) src(%arg17 : memref<8x256xi32, #tpu.memory_space<vmem>>) dst(%dma_wait3A_121 : memref<8x256xi32, #tpu.memory_space<hbm>>)
      } else {
      }
      %scan3A_104 = arith.constant 0 : i32
      %scan3A_105 = arith.constant 8 : i32
      %scan3A_106 = arith.addi %scan3A_104, %scan3A_105 : i32
      %scan3A_107 = arith.constant 1 : i32
      scf.for %scan3A_114 = %scan3A_104 to %scan3A_106 step %scan3A_107  : i32 {
        %mul3A_115 = arith.constant 1 : i32
        %mul3A_116 = arith.muli %scan3A_114, %mul3A_115 : i32
        %add3A_117 = arith.constant 0 : i32
        %add3A_118 = arith.addi %add3A_117, %mul3A_116 : i32
        %mul3A_119 = arith.constant 0 : i32
        %mul3A_120 = vector.broadcast %mul3A_119 : i32 to vector<16xi32>
        %mul3A_121 = arith.muli %iota3A, %mul3A_120 : vector<16xi32>
        %add3A_122 = vector.broadcast %add3A_118 : i32 to vector<16xi32>
        %add3A_123 = arith.addi %mul3A_121, %add3A_122 : vector<16xi32>
        %gather3A = tpu.vector_load_idx %arg14[%add3A_123] : memref<16xi32, #tpu.memory_space<vmem>>[vector<16xi32>], vector<16xi32>,
        %mul3A_124 = arith.constant 1024 : i32
        %mul3A_125 = vector.broadcast %mul3A_124 : i32 to vector<16xi32>
        %mul3A_126 = arith.muli %gather3A, %mul3A_125 : vector<16xi32>
        %add3A_127 = arith.addi %mul3A_126, %iota3A : vector<16xi32>
        %broadcast_in_dim3A = arith.constant 0.000000e+00 : f32
        %broadcast_in_dim3A_128 = vector.broadcast %broadcast_in_dim3A : f32 to vector<16xf32>
        %parallel_loop3A = arith.constant 0 : i32
        %parallel_loop3A_129 = arith.constant 64 : i32
        %parallel_loop3A_130 = arith.constant 1 : i32
        %parallel_loop3A_131 = scf.for %parallel_loop3A_152 = %parallel_loop3A to %parallel_loop3A_129 step %parallel_loop3A_130 iter_args(%parallel_loop3A_153 = %broadcast_in_dim3A_128) -> (vector<16xf32>)  : i32 {
          %parallel_loop3A_154 = arith.constant 16 : i32
          %parallel_loop3A_155 = arith.muli %parallel_loop3A_152, %parallel_loop3A_154 : i32
          %parallel_loop3A_156 = arith.index_cast %add3A_118 : i32 to index
          %parallel_loop3A_157 = arith.index_cast %parallel_loop3A_155 : i32 to index
          %parallel_loop3A_158 = tpu.vector_load %arg11[%parallel_loop3A_156, %parallel_loop3A_157] {strides = array<i32>} : memref<8x2048xf32, #tpu.memory_space<vmem>>, vector<16xf32>,
          %parallel_loop3A_159 = arith.constant 1024 : i32
          %parallel_loop3A_160 = arith.addi %parallel_loop3A_159, %parallel_loop3A_155 : i32
          %parallel_loop3A_161 = arith.index_cast %add3A_118 : i32 to index
          %parallel_loop3A_162 = arith.index_cast %parallel_loop3A_160 : i32 to index
          %parallel_loop3A_163 = tpu.vector_load %arg11[%parallel_loop3A_161, %parallel_loop3A_162] {strides = array<i32>} : memref<8x2048xf32, #tpu.memory_space<vmem>>, vector<16xf32>,
          %parallel_loop3A_164 = vector.broadcast %parallel_loop3A_155 : i32 to vector<16xi32>
          %parallel_loop3A_165 = arith.addi %add3A_127, %parallel_loop3A_164 : vector<16xi32>
          %parallel_loop3A_166 = tpu.vector_load_idx %arg9[%parallel_loop3A_165] : memref<65536xf32, #tpu.memory_space<vmem>>[vector<16xi32>], vector<16xf32>,
          %parallel_loop3A_167 = arith.mulf %parallel_loop3A_158, %neg3A_7 : vector<16xf32>
          %parallel_loop3A_168 = math.exp %parallel_loop3A_167 : vector<16xf32>
          %parallel_loop3A_169 = arith.mulf %parallel_loop3A_158, %parallel_loop3A_163 : vector<16xf32>
          %parallel_loop3A_170 = arith.mulf %parallel_loop3A_169, %parallel_loop3A_166 : vector<16xf32>
          %parallel_loop3A_171 = arith.constant 1.000000e+00 : f32
          %parallel_loop3A_172 = vector.broadcast %parallel_loop3A_171 : f32 to vector<16xf32>
          %parallel_loop3A_173 = arith.addf %parallel_loop3A_168, %parallel_loop3A_172 : vector<16xf32>
          %parallel_loop3A_174 = arith.divf %parallel_loop3A_170, %parallel_loop3A_173 : vector<16xf32>
          %parallel_loop3A_175 = arith.index_cast %parallel_loop3A_155 : i32 to index
          %parallel_loop3A_176 = tpu.vector_load %arg15[%parallel_loop3A_175] {strides = array<i32>} : memref<1024xf32, #tpu.memory_space<vmem>>, vector<16xf32>,
          tpu.vector_store %arg15[%parallel_loop3A_175], %parallel_loop3A_174 {strides = array<i32>} : memref<1024xf32, #tpu.memory_space<vmem>>, vector<16xf32>,
          %parallel_loop3A_177 = math.absf %parallel_loop3A_174 : vector<16xf32>
          %parallel_loop3A_178 = arith.maximumf %parallel_loop3A_153, %parallel_loop3A_177 : vector<16xf32>
          scf.yield %parallel_loop3A_178 : vector<16xf32>
        } {sc.loop_unroll_factor = 8 : i64, sc.parallel_access}
        %reduce_max3A = arith.constant true
        %reduce_max3A_132 = vector.broadcast %reduce_max3A : i1 to vector<16xi1>
        %reduce_max3A_133 = tpu.scan <max>, %parallel_loop3A_131 masked %reduce_max3A_132 : vector<16xf32>, vector<16xi1> -> vector<16xf32>
        %reduce_max3A_134 = vector.extract %reduce_max3A_133[15] : f32 from vector<16xf32>
        %broadcast_in_dim3A_135 = vector.broadcast %reduce_max3A_134 : f32 to vector<16xf32>
        %div3A = arith.constant 1.270000e+02 : f32
        %div3A_136 = vector.broadcast %div3A : f32 to vector<16xf32>
        %div3A_137 = arith.divf %broadcast_in_dim3A_135, %div3A_136 : vector<16xf32>
        %max3A = arith.constant 9.99999993E-9 : f32
        %max3A_138 = vector.broadcast %max3A : f32 to vector<16xf32>
        %max3A_139 = arith.maximumf %div3A_137, %max3A_138 : vector<16xf32>
        %div3A_140 = arith.constant 1.000000e+00 : f32
        %div3A_141 = vector.broadcast %div3A_140 : f32 to vector<16xf32>
        %div3A_142 = arith.divf %div3A_141, %max3A_139 : vector<16xf32>
        %mul3A_143 = arith.constant 0 : i32
        %mul3A_144 = vector.broadcast %mul3A_143 : i32 to vector<16xi32>
        %mul3A_145 = arith.muli %iota3A, %mul3A_144 : vector<16xi32>
        %add3A_146 = arith.addi %mul3A_98, %add3A_118 : i32
        %add3A_147 = vector.broadcast %add3A_146 : i32 to vector<16xi32>
        %add3A_148 = arith.addi %mul3A_145, %add3A_147 : vector<16xi32>
        tpu.vector_store_idx %arg18[%add3A_148], %max3A_139 masked %eq3A_4 : memref<1024xf32, #tpu.memory_space<vmem>>[vector<16xi32>], vector<16xf32>, vector<16xi1>
        %parallel_loop3A_149 = arith.constant 0 : i32
        %parallel_loop3A_150 = arith.constant 16 : i32
        %parallel_loop3A_151 = arith.constant 1 : i32
        scf.for %parallel_loop3A_152 = %parallel_loop3A_149 to %parallel_loop3A_150 step %parallel_loop3A_151  : i32 {
          %parallel_loop3A_153 = arith.constant 16 : i32
          %parallel_loop3A_154 = arith.muli %parallel_loop3A_152, %parallel_loop3A_153 : i32
          %parallel_loop3A_155 = arith.constant 0 : i32
          %parallel_loop3A_156 = arith.addi %parallel_loop3A_155, %parallel_loop3A_154 : i32
          %parallel_loop3A_157 = arith.index_cast %parallel_loop3A_156 : i32 to index
          %parallel_loop3A_158 = tpu.vector_load %arg15[%parallel_loop3A_157] {strides = array<i32>} : memref<1024xf32, #tpu.memory_space<vmem>>, vector<16xf32>,
          %parallel_loop3A_159 = arith.mulf %parallel_loop3A_158, %div3A_142 : vector<16xf32>
          %parallel_loop3A_160 = arith.constant 0x4B400000 : f32
          %parallel_loop3A_161 = vector.broadcast %parallel_loop3A_160 : f32 to vector<16xf32>
          %parallel_loop3A_162 = arith.addf %parallel_loop3A_159, %parallel_loop3A_161 : vector<16xf32>
          %parallel_loop3A_163 = arith.constant 0x4B400000 : f32
          %parallel_loop3A_164 = vector.broadcast %parallel_loop3A_163 : f32 to vector<16xf32>
          %parallel_loop3A_165 = arith.subf %parallel_loop3A_162, %parallel_loop3A_164 : vector<16xf32>
          %parallel_loop3A_166 = arith.fptosi %parallel_loop3A_165 : vector<16xf32> to vector<16xi32>
          %parallel_loop3A_167 = arith.constant 255 : i32
          %parallel_loop3A_168 = vector.broadcast %parallel_loop3A_167 : i32 to vector<16xi32>
          %parallel_loop3A_169 = arith.andi %parallel_loop3A_166, %parallel_loop3A_168 : vector<16xi32>
          %parallel_loop3A_170 = arith.constant 256 : i32
          %parallel_loop3A_171 = arith.addi %parallel_loop3A_170, %parallel_loop3A_154 : i32
          %parallel_loop3A_172 = arith.index_cast %parallel_loop3A_171 : i32 to index
          %parallel_loop3A_173 = tpu.vector_load %arg15[%parallel_loop3A_172] {strides = array<i32>} : memref<1024xf32, #tpu.memory_space<vmem>>, vector<16xf32>,
          %parallel_loop3A_174 = arith.mulf %parallel_loop3A_173, %div3A_142 : vector<16xf32>
          %parallel_loop3A_175 = arith.constant 0x4B400000 : f32
          %parallel_loop3A_176 = vector.broadcast %parallel_loop3A_175 : f32 to vector<16xf32>
          %parallel_loop3A_177 = arith.addf %parallel_loop3A_174, %parallel_loop3A_176 : vector<16xf32>
          %parallel_loop3A_178 = arith.constant 0x4B400000 : f32
          %parallel_loop3A_179 = vector.broadcast %parallel_loop3A_178 : f32 to vector<16xf32>
          %parallel_loop3A_180 = arith.subf %parallel_loop3A_177, %parallel_loop3A_179 : vector<16xf32>
          %parallel_loop3A_181 = arith.fptosi %parallel_loop3A_180 : vector<16xf32> to vector<16xi32>
          %parallel_loop3A_182 = arith.constant 255 : i32
          %parallel_loop3A_183 = vector.broadcast %parallel_loop3A_182 : i32 to vector<16xi32>
          %parallel_loop3A_184 = arith.andi %parallel_loop3A_181, %parallel_loop3A_183 : vector<16xi32>
          %parallel_loop3A_185 = arith.constant 8 : i32
          %parallel_loop3A_186 = vector.broadcast %parallel_loop3A_185 : i32 to vector<16xi32>
          %parallel_loop3A_187 = arith.shli %parallel_loop3A_184, %parallel_loop3A_186 : vector<16xi32>
          %parallel_loop3A_188 = arith.ori %parallel_loop3A_169, %parallel_loop3A_187 : vector<16xi32>
          %parallel_loop3A_189 = arith.constant 512 : i32
          %parallel_loop3A_190 = arith.addi %parallel_loop3A_189, %parallel_loop3A_154 : i32
          %parallel_loop3A_191 = arith.index_cast %parallel_loop3A_190 : i32 to index
          %parallel_loop3A_192 = tpu.vector_load %arg15[%parallel_loop3A_191] {strides = array<i32>} : memref<1024xf32, #tpu.memory_space<vmem>>, vector<16xf32>,
          %parallel_loop3A_193 = arith.mulf %parallel_loop3A_192, %div3A_142 : vector<16xf32>
          %parallel_loop3A_194 = arith.constant 0x4B400000 : f32
          %parallel_loop3A_195 = vector.broadcast %parallel_loop3A_194 : f32 to vector<16xf32>
          %parallel_loop3A_196 = arith.addf %parallel_loop3A_193, %parallel_loop3A_195 : vector<16xf32>
          %parallel_loop3A_197 = arith.constant 0x4B400000 : f32
          %parallel_loop3A_198 = vector.broadcast %parallel_loop3A_197 : f32 to vector<16xf32>
          %parallel_loop3A_199 = arith.subf %parallel_loop3A_196, %parallel_loop3A_198 : vector<16xf32>
          %parallel_loop3A_200 = arith.fptosi %parallel_loop3A_199 : vector<16xf32> to vector<16xi32>
          %parallel_loop3A_201 = arith.constant 255 : i32
          %parallel_loop3A_202 = vector.broadcast %parallel_loop3A_201 : i32 to vector<16xi32>
          %parallel_loop3A_203 = arith.andi %parallel_loop3A_200, %parallel_loop3A_202 : vector<16xi32>
          %parallel_loop3A_204 = arith.constant 16 : i32
          %parallel_loop3A_205 = vector.broadcast %parallel_loop3A_204 : i32 to vector<16xi32>
          %parallel_loop3A_206 = arith.shli %parallel_loop3A_203, %parallel_loop3A_205 : vector<16xi32>
          %parallel_loop3A_207 = arith.ori %parallel_loop3A_188, %parallel_loop3A_206 : vector<16xi32>
          %parallel_loop3A_208 = arith.constant 768 : i32
          %parallel_loop3A_209 = arith.addi %parallel_loop3A_208, %parallel_loop3A_154 : i32
          %parallel_loop3A_210 = arith.index_cast %parallel_loop3A_209 : i32 to index
          %parallel_loop3A_211 = tpu.vector_load %arg15[%parallel_loop3A_210] {strides = array<i32>} : memref<1024xf32, #tpu.memory_space<vmem>>, vector<16xf32>,
          %parallel_loop3A_212 = arith.mulf %parallel_loop3A_211, %div3A_142 : vector<16xf32>
          %parallel_loop3A_213 = arith.constant 0x4B400000 : f32
          %parallel_loop3A_214 = vector.broadcast %parallel_loop3A_213 : f32 to vector<16xf32>
          %parallel_loop3A_215 = arith.addf %parallel_loop3A_212, %parallel_loop3A_214 : vector<16xf32>
          %parallel_loop3A_216 = arith.constant 0x4B400000 : f32
          %parallel_loop3A_217 = vector.broadcast %parallel_loop3A_216 : f32 to vector<16xf32>
          %parallel_loop3A_218 = arith.subf %parallel_loop3A_215, %parallel_loop3A_217 : vector<16xf32>
          %parallel_loop3A_219 = arith.fptosi %parallel_loop3A_218 : vector<16xf32> to vector<16xi32>
          %parallel_loop3A_220 = arith.constant 24 : i32
          %parallel_loop3A_221 = vector.broadcast %parallel_loop3A_220 : i32 to vector<16xi32>
          %parallel_loop3A_222 = arith.shli %parallel_loop3A_219, %parallel_loop3A_221 : vector<16xi32>
          %parallel_loop3A_223 = arith.ori %parallel_loop3A_207, %parallel_loop3A_222 : vector<16xi32>
          %parallel_loop3A_224 = arith.index_cast %add3A_118 : i32 to index
          %parallel_loop3A_225 = arith.index_cast %parallel_loop3A_154 : i32 to index
          %parallel_loop3A_226 = tpu.vector_load %arg17[%parallel_loop3A_224, %parallel_loop3A_225] {strides = array<i32>} : memref<8x256xi32, #tpu.memory_space<vmem>>, vector<16xi32>,
          tpu.vector_store %arg17[%parallel_loop3A_224, %parallel_loop3A_225], %parallel_loop3A_223 {strides = array<i32>} : memref<8x256xi32, #tpu.memory_space<vmem>>, vector<16xi32>,
        } {sc.loop_unroll_factor = 4 : i64, sc.parallel_access}
      }
      %scan3A_108 = arith.constant 8 : i32
      %add3A_109 = arith.addi %mul3A_2, %mul3A_98 : i32
      %dma_start3A_110 = arith.constant 0 : i32
      %dma_start3A_111 = tpu.memref_slice %arg7[%add3A_109, %dma_start3A_110] : memref<32768x256xi32, #tpu.memory_space<hbm>> -> memref<8x256xi32, #tpu.memory_space<hbm>>
      %dma_start3A_112 = arith.constant 0 : i32
      %dma_start3A_113 = tpu.memref_slice %arg7[%add3A_109, %dma_start3A_112] : memref<32768x256xi32, #tpu.memory_space<hbm>> -> memref<8x256xi32, #tpu.memory_space<hbm>>
      tpu.enqueue_dma source(%arg17 : memref<8x256xi32, #tpu.memory_space<vmem>>) target(%dma_start3A_113 : memref<8x256xi32, #tpu.memory_space<hbm>>) target_semaphore(%arg23 : memref<!tpu.dma_semaphore, #tpu.memory_space<semaphore_mem>>)
    }
    %scan3A_21 = arith.constant 64 : i32
    %add3A_22 = arith.constant 1008 : i32
    %add3A_23 = arith.addi %mul3A_2, %add3A_22 : i32
    %dma_wait3A = arith.constant 0 : i32
    %dma_wait3A_24 = tpu.memref_slice %arg7[%add3A_23, %dma_wait3A] : memref<32768x256xi32, #tpu.memory_space<hbm>> -> memref<8x256xi32, #tpu.memory_space<hbm>>
    %dma_wait3A_25 = arith.constant 0 : i32
    %dma_wait3A_26 = tpu.memref_slice %arg7[%add3A_23, %dma_wait3A_25] : memref<32768x256xi32, #tpu.memory_space<hbm>> -> memref<8x256xi32, #tpu.memory_space<hbm>>
    tpu.wait_dma2 semaphore(%arg22 : memref<!tpu.dma_semaphore, #tpu.memory_space<semaphore_mem>>) src(%arg16 : memref<8x256xi32, #tpu.memory_space<vmem>>) dst(%dma_wait3A_26 : memref<8x256xi32, #tpu.memory_space<hbm>>)
    %add3A_27 = arith.constant 1016 : i32
    %add3A_28 = arith.addi %mul3A_2, %add3A_27 : i32
    %dma_wait3A_29 = arith.constant 0 : i32
    %dma_wait3A_30 = tpu.memref_slice %arg7[%add3A_28, %dma_wait3A_29] : memref<32768x256xi32, #tpu.memory_space<hbm>> -> memref<8x256xi32, #tpu.memory_space<hbm>>
    %dma_wait3A_31 = arith.constant 0 : i32
    %dma_wait3A_32 = tpu.memref_slice %arg7[%add3A_28, %dma_wait3A_31] : memref<32768x256xi32, #tpu.memory_space<hbm>> -> memref<8x256xi32, #tpu.memory_space<hbm>>
    tpu.wait_dma2 semaphore(%arg23 : memref<!tpu.dma_semaphore, #tpu.memory_space<semaphore_mem>>) src(%arg17 : memref<8x256xi32, #tpu.memory_space<vmem>>) dst(%dma_wait3A_32 : memref<8x256xi32, #tpu.memory_space<hbm>>)
    "tpu.region"() ({
      %run_scoped3A = tpu.sem_alloc : memref<!tpu.dma_semaphore, #tpu.memory_space<semaphore_mem>>
      %dma_start3A_33 = tpu.memref_slice %arg8[%mul3A_2] : memref<32768xf32, #tpu.memory_space<hbm>> -> memref<1024xf32, #tpu.memory_space<hbm>>
      %dma_start3A_34 = tpu.memref_slice %arg8[%mul3A_2] : memref<32768xf32, #tpu.memory_space<hbm>> -> memref<1024xf32, #tpu.memory_space<hbm>>
      tpu.enqueue_dma source(%arg18 : memref<1024xf32, #tpu.memory_space<vmem>>) target(%dma_start3A_34 : memref<1024xf32, #tpu.memory_space<hbm>>) target_semaphore(%run_scoped3A : memref<!tpu.dma_semaphore, #tpu.memory_space<semaphore_mem>>)
      %dma_wait3A_35 = tpu.memref_slice %arg8[%mul3A_2] : memref<32768xf32, #tpu.memory_space<hbm>> -> memref<1024xf32, #tpu.memory_space<hbm>>
      %dma_wait3A_36 = tpu.memref_slice %arg8[%mul3A_2] : memref<32768xf32, #tpu.memory_space<hbm>> -> memref<1024xf32, #tpu.memory_space<hbm>>
      tpu.wait_dma2 semaphore(%run_scoped3A : memref<!tpu.dma_semaphore, #tpu.memory_space<semaphore_mem>>) src(%arg18 : memref<1024xf32, #tpu.memory_space<vmem>>) dst(%dma_wait3A_36 : memref<1024xf32, #tpu.memory_space<hbm>>)
      tpu.yield
    }) : () -> ()
    return
  }
}

</mosaic_0001>

<sc_bundles>
// kernel: kernel.3.cloned.1.call-start
scs
__scs_entry_jumppad:
0x0: {  	(pc) =	sbr.rel $0x88, $3  }
0x1: {  	(tag) =	ssettag $0x0;
	lr =	simm.s32 $0x1  }
0x2: {  	[smem:$0x3F9C] =	sst lr;
	_ =	strace $0xD0000000  }
0x3: {  	_ = 	snop  }
0x4: {  	_ = 	snop  }
0x5: {  	_ = 	snop  }
0x6: {  	_ = 	snop  }
0x7: {  	_ = 	snop  }
__scs_overlays_trampoline_lowered:
0x8: {  	[smem:$0x3FAB] =	sst s0  }
0x9: {  	[smem:$0x3FAC] =	sst s1  }
0xa: {  	[smem:$0x3FAD] =	sst s2  }
0xb: {  	[smem:$0x3FAE] =	sst s3  }
0xc: {  	[smem:$0x3FAF] =	sst s4  }
0xd: {  	[smem:$0x3FB0] =	sst s5  }
0xe: {  	[smem:$0x3FB1] =	sst s6  }
0xf: {  	[smem:$0x3FB2] =	sst s7  }
0x10: {  	[smem:$0x3FB3] =	sst s8  }
0x11: {  	[smem:$0x3FB4] =	sst s9;
	s0 =	simm.s32 @!p0 $0x0  }
0x12: {  	s1 =	sld [smem:$0x3F9A];
	s0 =	simm.s32 @p0 $0x1  }
0x13: {  	[smem:$0x3FB5] =	sst s0;
	s0 =	simm.s32 @!p1 $0x0  }
0x14: {  	s2 =	sld [smem:$0x3F99];
	s0 =	simm.s32 @p1 $0x1  }
0x15: {  	[smem:$0x3FB6] =	sst s0;
	s0 =	simm.s32 @!p2 $0x0  }
0x16: {  	s3 =	sld [smem:$0x3FDB];
	s0 =	simm.s32 @p2 $0x1  }
0x17: {  	s4 =	simm.s32 $0x1BF5;
	[smem:$0x3FB8] =	sst s0  }
0x18: {  	s0 =	sld [smem:$0x3F9B];
	_ =	swait.ge [sflag:s4], $0x0  }
0x19: {  	s7 =	sld [smem:$0x3F9C]  }
0x1a: {  	s8 =	sadd.s32 $0xFFFFE003, lr  }
0x1b: {  	s9 =	sadd.s32 $0xFFFFFEF7, lr;
	s5 =	simm.s32 $0xFFFFFFFF;
	p2 =	slt.u32 s8, $0xFFFFF086  }
0x1c: {  	p1 =	slt.u32 s9, $0xF7A;
	s5 =	simm.s32 @!p2 $0x0  }
0x1d: {  	s5 =	simm.s32 @p1 $0x1;
	p0 =	seq.s32 s7, s2  }
0x1e: {  	s7 =	smul.u32 @!p0 $0xF7A, s2;
	p2 =	seq.s32 @!p0 s5, $0x0  }
0x1f: {  	s9 =	smul.u32 $0xF7A, s1;
	s8 =	simm.s32 @!p0 $0x1BF5;
	p2 =	por !p2, p0  }
0x20: {  	[sflag:s8] =	ssyncset.s32 @!p0 $0xFFFFF086;
	s6 =	sadd.s32 @!p0 s3, s7;
	s7 =	simm.s32 @!p0 $0x108  }
0x21: {  	s3 =	sadd.s32 s3, s9;
	s6 =	sadd.s32 @!p0 $0x88, s6;
	s7 =	simm.s32 @p2 $0x1082  }
0x22: {  	[simem:s7], [sflag:s8] =	dma.local @!p0 [hbm:s6], $0xF7A  }
0x23: {  	s9 =	sor.u32 $0xD0000000, s2;
	s6 =	simm.s32 $0x108;
	_ =	swait.ge @!p0 [sflag:s8], $0x0  }
0x24: {  	s3 =	sadd.s32 $0x88, s3;
	s6 =	simm.s32 @!p1 $0x1082;
	[sflag:s4] =	ssyncset.s32 $0xFFFFF086  }
0x25: {  	[simem:s6], [sflag:s4] =	dma.local [hbm:s3], $0xF7A  }
0x26: {  	[smem:$0x3F9C] =	sst s1;
	(tag) =	ssettag s2;
	_ =	strace s9  }
0x27: {  	s1 =	sld [smem:$0x3FAC]  }
0x28: {  	s2 =	sld [smem:$0x3FAD]  }
0x29: {  	s4 =	sld [smem:$0x3FAF]  }
0x2a: {  	p0 =	seq.s32 s5, $0x0;
	s5 =	sld [smem:$0x3FB0]  }
0x2b: {  	s6 =	sld [smem:$0x3FB1]  }
0x2c: {  	s7 =	sld [smem:$0x3FB2]  }
0x2d: {  	s3 =	simm.s32 $0x108;
	s8 =	sld [smem:$0x3FB3]  }
0x2e: {  	s3 =	simm.s32 @!p0 $0x1082;
	s9 =	sld [smem:$0x3FB4]  }
0x2f: {  	lr =	sadd.s32 s0, s3;
	s0 =	sld [smem:$0x3FAB]  }
0x30: {  	s3 =	sld [smem:$0x3FAE]  }
0x31: {  	[smem:$0x3FB7] =	sst s10  }
0x32: {  	s10 =	sld [smem:$0x3FB5];
	_ =	sdelay $0x3  }
0x33: {  	p0 =	seq.s32 s10, $0x1;
	s10 =	sld [smem:$0x3FB7];
	_ =	sdelay $0x3  }
0x34: {  	[smem:$0x3FB7] =	sst s10  }
0x35: {  	s10 =	sld [smem:$0x3FB6];
	_ =	sdelay $0x3  }
0x36: {  	p1 =	seq.s32 s10, $0x1;
	s10 =	sld [smem:$0x3FB7];
	_ =	sdelay $0x3  }
0x37: {  	[smem:$0x3FB7] =	sst s10  }
0x38: {  	s10 =	sld [smem:$0x3FB8]  }
0x39: {  	_ = 	snop;
	(pc) =	sbr.ind lr, $3  }
0x3a: {  	_ = 	snop  }
0x3b: {  	_ = 	snop  }
0x3c: {  	p2 =	seq.s32 s10, $0x1;
	s10 =	sld [smem:$0x3FB7]  }
0x3d: {  	_ =	shalt  }
0x3e: {  	_ =	shalt  }
0x3f: {  	_ =	shalt  }
0x40: {  	_ =	shalt  }
0x41: {  	_ =	shalt  }
0x42: {  	_ =	shalt  }
0x43: {  	_ =	shalt  }
0x44: {  	_ =	shalt  }
0x45: {  	_ =	shalt  }
0x46: {  	_ =	shalt  }
0x47: {  	_ =	shalt  }
0x48: {  	_ =	shalt  }
0x49: {  	_ =	shalt  }
0x4a: {  	_ =	shalt  }
0x4b: {  	_ =	shalt  }
0x4c: {  	_ =	shalt  }
0x4d: {  	_ =	shalt  }
0x4e: {  	_ =	shalt  }
0x4f: {  	_ =	shalt  }
0x50: {  	_ =	shalt  }
0x51: {  	_ =	shalt  }
0x52: {  	_ =	shalt  }
0x53: {  	_ =	shalt  }
0x54: {  	_ =	shalt  }
0x55: {  	_ =	shalt  }
0x56: {  	_ =	shalt  }
0x57: {  	_ =	shalt  }
0x58: {  	_ =	shalt  }
0x59: {  	_ =	shalt  }
0x5a: {  	_ =	shalt  }
0x5b: {  	_ =	shalt  }
0x5c: {  	_ =	shalt  }
0x5d: {  	_ =	shalt  }
0x5e: {  	_ =	shalt  }
0x5f: {  	_ =	shalt  }
0x60: {  	_ =	shalt  }
0x61: {  	_ =	shalt  }
0x62: {  	_ =	shalt  }
0x63: {  	_ =	shalt  }
0x64: {  	_ =	shalt  }
0x65: {  	_ =	shalt  }
0x66: {  	_ =	shalt  }
0x67: {  	_ =	shalt  }
0x68: {  	_ =	shalt  }
0x69: {  	_ =	shalt  }
0x6a: {  	_ =	shalt  }
0x6b: {  	_ =	shalt  }
0x6c: {  	_ =	shalt  }
0x6d: {  	_ =	shalt  }
0x6e: {  	_ =	shalt  }
0x6f: {  	_ =	shalt  }
0x70: {  	_ =	shalt  }
0x71: {  	_ =	shalt  }
0x72: {  	_ =	shalt  }
0x73: {  	_ =	shalt  }
0x74: {  	_ =	shalt  }
0x75: {  	_ =	shalt  }
0x76: {  	_ =	shalt  }
0x77: {  	_ =	shalt  }
0x78: {  	_ =	shalt  }
0x79: {  	_ =	shalt  }
0x7a: {  	_ =	shalt  }
0x7b: {  	_ =	shalt  }
0x7c: {  	_ =	shalt  }
0x7d: {  	_ =	shalt  }
0x7e: {  	_ =	shalt  }
0x7f: {  	_ =	shalt  }
0x80: {  	_ =	shalt  }
0x81: {  	_ =	shalt  }
0x82: {  	_ =	shalt  }
0x83: {  	_ =	shalt  }
0x84: {  	_ =	shalt  }
0x85: {  	_ =	shalt  }
0x86: {  	_ =	shalt  }
0x87: {  	_ =	shalt  }
.Lfunc_end0:
.L_simem_size_0:
called_computation_lowered:
.L_overlay_start_0:
0x88: {  	s2 =	sld [smem:$0x3FD9]  }
0x89: {  	s3 =	sld [smem:$0x3FFE];
	_ =	sdelay $0x1  }
0x8a: {  	s1 =	srdreg.scid  }
0x8b: {  	s0 =	sand.u32 $0x1, s1  }
0x8c: {  	s14 =	sshll.u32 s0, $0xA;
	s2 =	sadd.s32 s3, s2  }
0x8d: {  	s2 =	sadd.s32 s2, s14  }
0x8e: {  	[smem:$0x3FC3] =	sst s2  }
0x8f: {  	_ = 	snop  }
0x90: {  	s2 =	sld [smem:$0x3FD0];
	_ =	sdelay $0x1  }
0x91: {  	s15 =	sld [smem:$0x3FC9]  }
0x92: {  	s5 =	simm.s32 $0xA;
	s6 =	simm.s32 $0x10;
	s4 =	sld [smem:$0x3FC7]  }
0x93: {  	[smem:s6], [sflag:s5] =	dma.local [hbm:s2], $0x1  }
0x94: {  	_ =	swait.eq [sflag:s5], $0x1  }
0x95: {  	[sflag:s5] =	ssyncset.done $0x0  }
0x96: {  	s16 =	sld [smem:$0x10];
	[sflag:s5] =	ssyncadd.s32 $0xFFFFFFFF  }
0x97: {  	s17 =	sld [smem:$0x11];
	(tm) =	ssettm $0x1  }
0x98: {  	s18 =	sld [smem:$0x3FFB];
	_ =	sdelay $0x3  }
0x99: {  	_ =	strace s18  }
0x9a: {  	s6 =	sld [smem:$0x3FFC];
	_ =	sdelay $0x3  }
0x9b: {  	_ =	strace s6  }
0x9c: {  	s6 =	sld [smem:$0x3FFD];
	_ =	sdelay $0x3  }
0x9d: {  	_ =	strace s6  }
0x9e: {  	_ =	strace $0x8FFFFFFF  }
0x9f: {  	s19 =	sld [smem:$0x3FDB];
	_ =	sdelay $0x1  }
0xa0: {  	s7 =	simm.s32 $_scs_section_size  }
0xa1: {  	s8 =	simm.s32 $_size__tile_overlayer_lowered;
	s9 =	simm.s32 $_tile_overlayer_lowered  }
0xa2: {  	s22 =	simm.s32 $0x1BFF;
	s21 =	sshll.u32 s9, $0x1;
	s6 =	sadd.s32 s7, s19  }
0xa3: {  	s10 =	simm.s32 $0x0;
	s20 =	sshll.u32 s8, $0x1;
	s8 =	sadd.s32 s21, s6  }
0xa4: {  	[timem:s10], [sflag:s22] =	dma.local [hbm:s8], s20  }
0xa5: {  	_ =	swait.ge [sflag:s22], s20  }
0xa6: {  	s7 =	ssub.s32 $0x0, s20;
	[sflag:s22] =	ssyncset.done $0x0  }
0xa7: {  	[sflag:s22] =	ssyncadd.s32 s7;
	_ =	sdelay $0x1  }
0xa8: {  	s23 =	simm.s32 $0x1B8B  }
0xa9: {  	_ =	swait.ge [sflag:s23], $0x1  }
0xaa: {  	[sflag:s23] =	ssyncset.done $0x0  }
0xab: {  	s25 =	simm.s32 $0x1B8E;
	s24 =	sld [smem:$0x3FFE];
	[sflag:s23] =	ssyncadd.s32 $0xFFFFFFFF  }
0xac: {  	s26 =	simm.s32 $execute0_lowered;
	[smem:$0x3FD2] =	sst s25  }
0xad: {  	s8 =	sshll.u32 s26, $0x1;
	_ =	strace $0x80000046;
	[dreg:$0x1] =	wrdreg $0xFFFFFFFF  }
0xae: {  	s28 =	simm.s32 $_size_execute0_lowered;
	s6 =	sadd.s32 s6, s8;
	[dreg:$0x0] =	wrdreg $0x0  }
0xaf: {  	s8 =	sshll.u32 s28, $0x1;
	[dreg:$0x2] =	wrdreg s6  }
0xb0: {  	[dreg:$0x3] =	wrdreg s8  }
0xb1: {  	[dreg:$0x4] =	wrdreg $0xC0  }
0xb2: {  	_ =	task [dreg:s10], $0x5FFFF  }
0xb3: {  	[dreg:$0x1] =	wrdreg $0xFFFFFFFF  }
0xb4: {  	[dreg:$0x0] =	wrdreg $0x60  }
0xb5: {  	[dreg:$0x2] =	wrdreg s15  }
0xb6: {  	[dreg:$0x3] =	wrdreg s24  }
0xb7: {  	[dreg:$0x4] =	wrdreg s4  }
0xb8: {  	[dreg:$0x5] =	wrdreg s16  }
0xb9: {  	[dreg:$0x6] =	wrdreg s17  }
0xba: {  	[dreg:$0x7] =	wrdreg $0x9  }
0xbb: {  	_ =	task.clear_ibuf [dreg:s10], $0x8FFFF;
	_ =	strace $0x90000046  }
0xbc: {  	s29 =	simm.s32 $0x9;
	_ =	strace $0x80000048  }
0xbd: {  	_ =	swait.ge [sflag:s29], $0x1  }
0xbe: {  	[sflag:s29] =	ssyncadd.s32 $0xFFFFFFFF  }
0xbf: {  	_ =	strace $0x90000048  }
0xc0: {  	_ =	sfence  }
0xc1: {  	s30 =	sld [smem:$0x0];
	_ =	sdelay $0x2  }
0xc2: {  	s31 =	sshll.u32 s1, $0xD;
	s1 =	sshrl.u32 s1, $0x2  }
0xc3: {  	s3 =	sand.u32 $0x4000, s31;
	s1 =	sadd.s32 s1, s30  }
0xc4: {  	s0 =	sor.u32 s3, s0;
	s1 =	sshll.u32 s1, $0x11  }
0xc5: {  	s0 =	sor.u32 s1, s0  }
0xc6: {  	s0 =	sadd.s32 $0x8F2B, s0  }
0xc7: {  	[sflag:s0] =	ssyncadd.remote.s32 $0x1  }
0xc8: {  	_ =	sfence.sel $0xFFFF  }
0xc9: {  	[dreg:$0x0] =	wrdreg $0xFFFFFFFF;
	(pc) =	sbr.abs _section_cstart, $3  }
0xca: {  	[dreg:$0x1] =	wrdreg $0xFFFFFFFF  }
0xcb: {  	_ =	task.clear_ibuf [dreg:s10], $0x2FFFF;
	_ =	strace $0x9FFFFFFF  }
0xcc: {  	(tm) =	ssettm $0x7FFFFFFF  }
0xcd: {  	_ =	shalt  }
tec
execute0_lowered:
.L_overlay_start_1:
0x0: {  	(tag) =	ssettag $0x1  }
0x1: {  	s31 =	rddreg [dreg:$0x0]  }
0x2: {  	s0 =	rddreg [dreg:$0x1]  }
0x3: {  	s1 =	rddreg [dreg:$0x2]  }
0x4: {  	s2 =	rddreg [dreg:$0x4];
	s4 =	simm.s32 $0x0;
	s3 =	srdreg.scid  }
0x5: {  	s5 =	stileid.u32;
	s29 =	simm.s32 $0x18480;
	s30 =	simm.s32 $0x1  }
0x6: {  	s21 =	simm.s32 $0x19900;
	s8 =	simm.s32 $0x2;
	[smem:$0x7FF] =	sst s4  }
0x7: {  	v0 =	vimm.f32 $1.270000000e+02;
	s3 =	sand.u32 $0x1, s3;
	s5 =	sshll.u32 s5, $0xB;
	_ =	strace $0x80000047  }
0x8: {  	s7 =	sadd.s32 $0xA00, s0;
	s23 =	sadd.s32 $0x2A00, s0;
	s0 =	sadd.s32 $0x3A00, s0;
	(erf) = vrcp.f32 v0  }
0x9: {  	s26 =	sadd.s32 $0x100, s31;
	s11 =	sadd.s32 $0x200, s31;
	s12 =	sadd.s32 $0x300, s31  }
0xa: {  	s13 =	sadd.s32 $0x400, s31;
	s14 =	sadd.s32 $0x500, s31;
	[dreg:$0x6] =	wrdreg s7  }
0xb: {  	s15 =	sadd.s32 $0x600, s31;
	s6 =	sshll.u32 s3, $0xA;
	[dreg:$0x8] =	wrdreg s23  }
0xc: {  	s16 =	sadd.s32 $0x700, s31;
	[dreg:$0x9] =	wrdreg s0;
	s6 =	sor.u32 s6, s5  }
0xd: {  	s3 =	ssub.s32 $0x2, s3;
	[dreg:$0x7] =	wrdreg s6;
	s6 =	sshrl.u32 s6, $0x3  }
0xe: {  	[dreg:$0xb] =	wrdreg s26;
	s24 =	sshrl.u32 s3, $0x1;
	s1 =	sadd.s32 s1, s6  }
0xf: {  	v0 =	vlaneseq.u32;
	s25 =	ssub.s32 s3, s24;
	s28 =	sadd.s32 s2, s6;
	[dreg:$0xa] =	wrdreg s1  }
0x10: {  	s3 =	simm.s32 $0x5;
	v3 =	vshrl.u32 v0, $0x3;
	s0 =	smax.u32 s25, $0x1;
	[dreg:$0xc] =	wrdreg s28  }
0x11: {  	vm0 =	vmmov $0xffff;
	v2 =	vand.u32 $0x7, v0;
	v3 =	vmul.u32 $0x8, v3;
	s2 =	simm.s32 $0x0;
	[dreg:$0xd] =	wrdreg s0;
	s0 =	simm.s32 $0x18400;
	v1 =	vpop (erf)  }
.LBB2_1:
0x12: {  	[dreg:$0xe] =	wrdreg s2  }
0x13: {  	s1 =	rddreg [dreg:$0x9];
	s5 =	simm.s32 $0x19D00  }
0x14: {  	[tilespmem:s5], [sflag:$0x5] =	stream.linear.gather [hbm4b:s1+s4], $0x80, $0x38;
	[tilespmem:$0x19D80] =	vst v63  }
0x15: {  	_ =	swait.ge [sflag:s3], $0x80  }
0x16: {  	[sflag:s3] =	ssyncset.done $0x0  }
0x17: {  	s6 =	rddreg [dreg:$0x6];
	[sflag:s3] =	ssyncadd.s32 $0xFFFFFF80  }
0x18: {  	[tilespmem:s4], [sflag:$0x5] =	stream.linear.gather [hbm4b:s6+s4], $0x10000, $0x38;
	[tilespmem:$0x19D80] =	vst v63  }
0x19: {  	_ =	swait.ge [sflag:s3], $0x10000  }
0x1a: {  	[sflag:s3] =	ssyncset.done $0x0  }
0x1b: {  	s9 =	simm.s32 $0x18000;
	s7 =	rddreg [dreg:$0xa];
	[sflag:s3] =	ssyncadd.s32 $0xFFFF0000  }
0x1c: {  	[tilespmem:s9], [sflag:$0x5] =	stream.linear.gather [hbm4b:s7+s4], $0x400, $0x38;
	[tilespmem:$0x19D80] =	vst v63  }
0x1d: {  	_ =	swait.ge [sflag:s3], $0x400  }
0x1e: {  	[sflag:s3] =	ssyncset.done $0x0  }
0x1f: {  	[sflag:s3] =	ssyncadd.s32 $0xFFFFFC00  }
0x20: {  	v4 =	vld.msk [tilespmem:$0x18000], $0xff;
	_ =	sdelay $0x4  }
0x21: {  	v5 =	vshll.u32 v4, $0x4  }
0x22: {  	v4 =	vand.u32 $0x7, v4;
	v5 =	vand.u32 $0xFFFFFF80, v5  }
0x23: {  	v4 =	vor.u32 v4, v5  }
0x24: {  	v4 =	vperm.xlane v4, v2;
	_ =	sdelay $0x1  }
0x25: {  	v4 =	vadd.s32 v3, v4;
	_ =	sdelay $0x3  }
0x26: {  	s10 =	simm.s32 $0x10000  }
0x27: {  	v5 =	vld [tilespmem:$0x19D00];
	[tilespmem:s10], [sflag:$0x1] =	stream.indirect_vreg.gather [hbm4b:s31+s4], $0x80, v4, vm0, $0xb8  }
0x28: {  	s18 =	simm.s32 $0x10800;
	s17 =	rddreg [dreg:$0xb]  }
0x29: {  	[tilespmem:s18], [sflag:$0x1] =	stream.indirect_vreg.gather [hbm4b:s17+s4], $0x80, v4, vm0, $0xb8;
	[tilespmem:$0x19D80] =	vst v63  }
0x2a: {  	s19 =	simm.s32 $0x11000  }
0x2b: {  	[tilespmem:s19], [sflag:$0x1] =	stream.indirect_vreg.gather [hbm4b:s11+s4], $0x80, v4, vm0, $0xb8;
	[tilespmem:$0x19D80] =	vst v63  }
0x2c: {  	s20 =	simm.s32 $0x11800  }
0x2d: {  	[tilespmem:s20], [sflag:$0x1] =	stream.indirect_vreg.gather [hbm4b:s12+s4], $0x80, v4, vm0, $0xb8;
	[tilespmem:$0x19D80] =	vst v63  }
0x2e: {  	s22 =	simm.s32 $0x12000  }
0x2f: {  	[tilespmem:s22], [sflag:$0x1] =	stream.indirect_vreg.gather [hbm4b:s13+s4], $0x80, v4, vm0, $0xb8;
	[tilespmem:$0x19D80] =	vst v63  }
0x30: {  	s23 =	simm.s32 $0x12800  }
0x31: {  	[tilespmem:s23], [sflag:$0x1] =	stream.indirect_vreg.gather [hbm4b:s14+s4], $0x80, v4, vm0, $0xb8;
	[tilespmem:$0x19D80] =	vst v63  }
0x32: {  	s24 =	simm.s32 $0x13000  }
0x33: {  	[tilespmem:s24], [sflag:$0x1] =	stream.indirect_vreg.gather [hbm4b:s15+s4], $0x80, v4, vm0, $0xb8;
	[tilespmem:$0x19D80] =	vst v63  }
0x34: {  	s25 =	simm.s32 $0x13800  }
0x35: {  	[tilespmem:s25], [sflag:$0x1] =	stream.indirect_vreg.gather [hbm4b:s16+s4], $0x80, v4, vm0, $0xb8;
	[tilespmem:$0x19D80] =	vst v63  }
0x36: {  	s28 =	simm.s32 $0x8;
	s26 =	rddreg [dreg:$0x8];
	s18 =	simm.s32 $0x0  }
0x37: {  	v4 =	vsub.f32 $0.0e+00, v5;
	[tilespmem:s0], [sflag:$0x1] =	stream.indirect.gather [hbm4b:s26+s28], $0x1, s9, s28, $0xb8;
	[tilespmem:$0x19D80] =	vst v63  }
.LBB2_2:
0x38: {  	s17 =	sshll.u32 s18, $0x4  }
0x39: {  	v5 =	vld.msk [tilespmem:s17+$0x18008], $0xff;
	_ =	sdelay $0x4  }
0x3a: {  	v6 =	vshll.u32 v5, $0x4  }
0x3b: {  	v5 =	vand.u32 $0x7, v5;
	v6 =	vand.u32 $0xFFFFFF80, v6  }
0x3c: {  	v5 =	vor.u32 v5, v6  }
0x3d: {  	v5 =	vperm.xlane v5, v2;
	_ =	sdelay $0x1  }
0x3e: {  	v5 =	vadd.s32 v3, v5;
	_ =	sdelay $0x3  }
0x3f: {  	s1 =	simm.s32 $0x14000  }
0x40: {  	[tilespmem:s1], [sflag:$0x2] =	stream.indirect_vreg.gather [hbm4b:s31+s4], $0x80, v5, vm0, $0xb8;
	[tilespmem:$0x19D80] =	vst v63  }
0x41: {  	s19 =	rddreg [dreg:$0xb];
	s2 =	simm.s32 $0x14800  }
0x42: {  	[tilespmem:s2], [sflag:$0x2] =	stream.indirect_vreg.gather [hbm4b:s19+s4], $0x80, v5, vm0, $0xb8;
	[tilespmem:$0x19D80] =	vst v63  }
0x43: {  	s20 =	simm.s32 $0x15000  }
0x44: {  	[tilespmem:s20], [sflag:$0x2] =	stream.indirect_vreg.gather [hbm4b:s11+s4], $0x80, v5, vm0, $0xb8;
	[tilespmem:$0x19D80] =	vst v63  }
0x45: {  	s22 =	simm.s32 $0x15800  }
0x46: {  	[tilespmem:s22], [sflag:$0x2] =	stream.indirect_vreg.gather [hbm4b:s12+s4], $0x80, v5, vm0, $0xb8;
	[tilespmem:$0x19D80] =	vst v63  }
0x47: {  	s23 =	simm.s32 $0x16000  }
0x48: {  	[tilespmem:s23], [sflag:$0x2] =	stream.indirect_vreg.gather [hbm4b:s13+s4], $0x80, v5, vm0, $0xb8;
	[tilespmem:$0x19D80] =	vst v63  }
0x49: {  	s24 =	simm.s32 $0x16800  }
0x4a: {  	[tilespmem:s24], [sflag:$0x2] =	stream.indirect_vreg.gather [hbm4b:s14+s4], $0x80, v5, vm0, $0xb8;
	[tilespmem:$0x19D80] =	vst v63  }
0x4b: {  	s25 =	simm.s32 $0x17000  }
0x4c: {  	[tilespmem:s25], [sflag:$0x2] =	stream.indirect_vreg.gather [hbm4b:s15+s4], $0x80, v5, vm0, $0xb8;
	[tilespmem:$0x19D80] =	vst v63  }
0x4d: {  	s10 =	smov.u32 s31;
	s26 =	simm.s32 $0x17800  }
0x4e: {  	[tilespmem:s26], [sflag:$0x2] =	stream.indirect_vreg.gather [hbm4b:s16+s4], $0x80, v5, vm0, $0xb8;
	[tilespmem:$0x19D80] =	vst v63  }
0x4f: {  	s3 =	simm.s32 $0x8;
	s28 =	sadd.s32 $0x18008, s17;
	s31 =	rddreg [dreg:$0x8]  }
0x50: {  	[tilespmem:s29], [sflag:$0x2] =	stream.indirect.gather [hbm4b:s31+s3], $0x1, s28, s3, $0xb8;
	[tilespmem:$0x19D80] =	vst v63  }
0x51: {  	_ =	swait.ge [sflag:s30], $0x4000  }
0x52: {  	[sflag:s30] =	ssyncset.done $0x0  }
0x53: {  	[sflag:s30] =	ssyncadd.s32 $0xFFFFC000  }
0x54: {  	_ =	swait.ge [sflag:s30], $0x8  }
0x55: {  	p0 =	seq.s32 s18, $0x0;
	[sflag:s30] =	ssyncset.done $0x0  }
0x56: {  	s1 =	simm.s32 @!p0 $0x3;
	[sflag:s30] =	ssyncadd.s32 $0xFFFFFFF8  }
0x57: {  	_ =	swait.ge @!p0 [sflag:s1], $0x800  }
0x58: {  	s19 =	simm.s32 $0x12000;
	s20 =	sor.u32 $0x8, s17;
	[sflag:s1] =	ssyncset.done @!p0 $0x0  }
0x59: {  	s22 =	simm.s32 $0x0;
	s3 =	simm.s32 $0x0;
	[sflag:s1] =	ssyncadd.s32 @!p0 $0xFFFFF800  }
.LBB2_3:
0x5a: {  	v5 =	vmov s22;
	_ =	sdelay $0x1  }
0x5b: {  	v6 =	vld [tilespmem:s19+$0xFFFFE020]  }
0x5c: {  	v7 =	vld [tilespmem:s19+$0x0]  }
0x5d: {  	v9 =	vld [tilespmem:s19+$0x20]  }
0x5e: {  	v5 =	vld.idx.msk [tilespmem:v5+s0+$0x0], $0xffff  }
0x5f: {  	v10 =	vld [tilespmem:s19+$0xFFFFE030]  }
0x60: {  	v12 =	vld [tilespmem:s19+$0xFFFFE040];
	v11 =	vmul.f32 v6, v4  }
0x61: {  	v13 =	vld [tilespmem:s19+$0xFFFFE000]  }
0x62: {  	v15 =	vld [tilespmem:s19+$0x10];
	v11 =	vmul.f32 $1.442695020e+00, v11  }
0x63: {  	v17 =	vld [tilespmem:s19+$0xFFFFE010];
	v5 =	vshll.u32 v5, $0xA  }
0x64: {  	s1 =	simm.s32 $0x20;
	(erf) = vpow2.f32 v11;
	v11 =	vld [tilespmem:s19+$0xFFFFE050];
	v5 =	vor.u32 v0, v5  }
0x65: {  	s25 =	simm.s32 $0x10;
	v19 =	vld [tilespmem:s19+$0xFFFFE060];
	v8 =	vor.u32 s1, v5  }
0x66: {  	s26 =	simm.s32 $0x70;
	v24 =	vld [tilespmem:s19+$0xFFFFE070];
	v14 =	vor.u32 s25, v5  }
0x67: {  	s31 =	simm.s32 $0x50;
	s5 =	simm.s32 $0x30;
	v27 =	vld [tilespmem:s19+$0x50];
	v23 =	vmul.f32 v7, v13;
	v16 =	vor.u32 s26, v5  }
0x68: {  	s2 =	simm.s32 $0x60;
	v7 =	vmul.f32 v9, v6;
	v9 =	vld [tilespmem:s19+$0x70];
	v20 =	vor.u32 s31, v5;
	v25 =	vor.u32 s5, v5;
	s5 =	sadd.s32 $0x400, s19  }
0x69: {  	v22 =	vor.u32 s2, v5;
	v42 =	vld [tilespmem:s5+$0x50];
	v6 =	vmul.f32 v11, v4  }
0x6a: {  	v18 =	vmul.f32 v10, v4;
	v21 =	vmul.f32 v12, v4;
	v8 =	vld.idx.msk [tilespmem:v8+s4+$0x0], $0xffff  }
0x6b: {  	v13 =	vmul.f32 v13, v4;
	v26 =	vmul.f32 v19, v4;
	v14 =	vld.idx.msk [tilespmem:v14+s4+$0x0], $0xffff  }
0x6c: {  	v15 =	vmul.f32 v15, v17;
	v17 =	vmul.f32 v17, v4;
	v16 =	vld.idx.msk [tilespmem:v16+s4+$0x0], $0xffff  }
0x6d: {  	v18 =	vmul.f32 $1.442695020e+00, v18;
	v28 =	vmul.f32 $1.442695020e+00, v6;
	v20 =	vld.idx.msk [tilespmem:v20+s4+$0x0], $0xffff;
	v6 =	vpop (erf)  }
0x6e: {  	v31 =	vmul.f32 v24, v4;
	v21 =	vmul.f32 $1.442695020e+00, v21;
	v22 =	vld.idx.msk [tilespmem:v22+s4+$0x0], $0xffff;
	v30 =	vadd.f32 $1.000000000e+00, v6  }
0x6f: {  	v26 =	vmul.f32 $1.442695020e+00, v26;
	(erf) = vpow2.f32 v18;
	v18 =	vld [tilespmem:s19+$0x60]  }
0x70: {  	s6 =	simm.s32 $0x40;
	v13 =	vmul.f32 $1.442695020e+00, v13;
	(erf) = vrcp.f32 v30;
	v30 =	vld [tilespmem:s19+$0x40]  }
0x71: {  	v17 =	vmul.f32 $1.442695020e+00, v17;
	v29 =	vor.u32 s6, v5;
	v6 =	vmul.f32 v14, v15;
	v14 =	vld [tilespmem:s19+$0x30]  }
0x72: {  	v9 =	vmul.f32 v9, v24;
	v15 =	vld.idx.msk [tilespmem:v25+s4+$0x0], $0xffff;
	v24 =	vmul.f32 v8, v7  }
0x73: {  	v8 =	vmul.f32 v27, v11;
	v27 =	vld [tilespmem:s5+$0xFFFFE020];
	(erf) = vpow2.f32 v21  }
0x74: {  	v25 =	vmul.f32 $1.442695020e+00, v31;
	v11 =	vld [tilespmem:s5+$0xFFFFE040];
	(erf) = vpow2.f32 v28  }
0x75: {  	v7 =	vmul.f32 v16, v9;
	v31 =	vld [tilespmem:s5+$0xFFFFE050];
	(erf) = vpow2.f32 v26  }
0x76: {  	v16 =	vld.idx.msk [tilespmem:v29+s4+$0x0], $0xffff;
	v9 =	vmul.f32 v18, v19;
	(erf) = vpow2.f32 v17  }
0x77: {  	v18 =	vor.u32 s3, v5;
	v8 =	vmul.f32 v20, v8;
	v20 =	vld [tilespmem:s5+$0x20];
	(erf) = vpow2.f32 v13  }
0x78: {  	v21 =	vld [tilespmem:s5+$0xFFFFE030];
	v10 =	vmul.f32 v14, v10;
	v17 =	vmul.f32 v27, v4  }
0x79: {  	s7 =	simm.s32 $0xA0;
	v19 =	vld [tilespmem:s5+$0x0];
	v14 =	vmul.f32 v22, v9;
	v29 =	vmul.f32 v11, v4  }
0x7a: {  	v13 =	vpop (erf);
	v22 =	vor.u32 s7, v5;
	v42 =	vmul.f32 v42, v31;
	v9 =	vmul.f32 v15, v10;
	v15 =	vld [tilespmem:s5+$0xFFFFE000]  }
0x7b: {  	s2 =	simm.s32 $0x90;
	v26 =	vld [tilespmem:s5+$0x10];
	v10 =	vmul.f32 v30, v12;
	v17 =	vmul.f32 $1.442695020e+00, v17;
	v12 =	vpop (erf)  }
0x7c: {  	v28 =	vor.u32 s2, v5;
	v33 =	vld.idx.msk [tilespmem:v18+s4+$0x0], $0xffff;
	v20 =	vmul.f32 v20, v27;
	v30 =	vmul.f32 v12, v24  }
0x7d: {  	v13 =	vadd.f32 $1.000000000e+00, v13;
	v12 =	vmul.f32 v21, v4;
	v10 =	vmul.f32 v16, v10;
	v16 =	vld [tilespmem:s5+$0xFFFFE060];
	v32 =	vpop (erf)  }
0x7e: {  	s9 =	simm.s32 $0xF0;
	v39 =	vmul.f32 $1.442695020e+00, v29;
	(erf) = vpow2.f32 v17;
	v17 =	vld [tilespmem:s5+$0xFFFFE010];
	v18 =	vpop (erf)  }
0x7f: {  	s23 =	simm.s32 $0xD0;
	v34 =	vor.u32 s9, v5;
	v24 =	vmul.f32 $1.442695020e+00, v12;
	v12 =	vmul.f32 v19, v15;
	v19 =	vld.idx.msk [tilespmem:v22+s4+$0x0], $0xffff;
	v22 =	vpop (erf)  }
0x80: {  	v36 =	vor.u32 s23, v5;
	v37 =	vld [tilespmem:s5+$0xFFFFE070];
	v27 =	vmul.f32 v31, v4;
	(erf) = vpow2.f32 v25;
	v35 =	vpop (erf)  }
0x81: {  	v25 =	vld.idx.msk [tilespmem:v28+s4+$0x0], $0xffff;
	(erf) = vrcp.f32 v13;
	v15 =	vmul.f32 v15, v4;
	v13 =	vpop (erf)  }
0x82: {  	s24 =	simm.s32 $0xE0;
	v38 =	vld [tilespmem:s5+$0x70];
	(erf) = vpow2.f32 v24;
	v28 =	vmul.f32 v16, v4;
	v13 =	vadd.f32 $1.000000000e+00, v13  }
0x83: {  	v41 =	vor.u32 s24, v5;
	s26 =	simm.s32 $0xB0;
	v62 =	vld [tilespmem:s5+$0x30];
	v40 =	vmul.f32 v26, v17;
	v26 =	vmul.f32 $1.442695020e+00, v27  }
0x84: {  	s25 =	simm.s32 $0xC0;
	v45 =	vor.u32 s26, v5;
	v34 =	vld.idx.msk [tilespmem:v34+s4+$0x0], $0xffff;
	v43 =	vmul.f32 v17, v4;
	(erf) = vrcp.f32 v13  }
0x85: {  	v44 =	vor.u32 s25, v5;
	v46 =	vld.idx.msk [tilespmem:v36+s4+$0x0], $0xffff;
	v24 =	vmul.f32 $1.442695020e+00, v15;
	v29 =	vmul.f32 $1.442695020e+00, v28  }
0x86: {  	v36 =	vadd.f32 $1.000000000e+00, v32;
	v15 =	vld [tilespmem:s5+$0x60];
	v28 =	vmul.f32 v33, v23;
	v17 =	vmul.f32 v25, v40  }
0x87: {  	v22 =	vadd.f32 $1.000000000e+00, v22;
	v25 =	vmul.f32 v38, v37;
	v33 =	vmul.f32 $1.442695020e+00, v43  }
0x88: {  	v41 =	vld.idx.msk [tilespmem:v41+s4+$0x0], $0xffff;
	v27 =	vimm.f32 $0.0e+00;
	v13 =	vmul.f32 v37, v4;
	v19 =	vmul.f32 v19, v20;
	v23 =	vpop (erf)  }
0x89: {  	v31 =	vld.idx.msk [tilespmem:v45+s4+$0x0], $0xffff;
	v37 =	vmul.f32 v62, v21;
	(erf) = vrcp.f32 v22;
	v63 =	vadd.f32 $1.000000000e+00, v23  }
0x8a: {  	v35 =	vadd.f32 $1.000000000e+00, v35;
	v23 =	vmul.f32 $1.442695020e+00, v13;
	v20 =	vpop (erf);
	v13 =	vmul.f32 v34, v25  }
0x8b: {  	s28 =	simm.s32 $0x100;
	v16 =	vmul.f32 v15, v16;
	v38 =	vadd.f32 $1.000000000e+00, v20;
	v20 =	vpop (erf);
	(erf) = vrcp.f32 v63  }
0x8c: {  	s23 =	sshll.u32 s22, $0x7;
	s24 =	simm.s32 $0x18540;
	s31 =	simm.s32 $0x80;
	v21 =	vand.u32 $0x7FFFFFFF, v30;
	v15 =	vmul.f32 v46, v42;
	v34 =	vld [tilespmem:s5+$0x40];
	v32 =	vpop (erf);
	(erf) = vrcp.f32 v35  }
0x8d: {  	s26 =	simm.s32 $0x8;
	s25 =	simm.s32 $0x185C0;
	[tilespmem:s24+$0xFFFFFFE0] =	vst v30;
	v30 =	vld.idx.msk [tilespmem:v44+s4+$0x0], $0xffff;
	s5 =	sadd.s32 $0x400, s5;
	v16 =	vmul.f32 v41, v16;
	v35 =	vor.u32 s31, v5;
	(erf) = vpow2.f32 v39;
	v25 =	vpop (erf)  }
.LBB2_4:
0x8e: {  	s1 =	sadd.s32 $0x10, s28;
	s2 =	sadd.s32 $0x20, s28;
	v39 =	vld [tilespmem:s5+$0xFFFFE020];
	s6 =	sadd.s32 $0x30, s28;
	v37 =	vmul.f32 v31, v37;
	v18 =	vadd.f32 $1.000000000e+00, v18;
	(erf) = vrcp.f32 v38  }
0x8f: {  	s26 =	sadd.s32 $0x8, s26;
	v38 =	vld [tilespmem:s5+$0x0];
	v40 =	vor.u32 s1, v5;
	v41 =	vor.u32 s2, v5;
	s1 =	sadd.s32 $0x40, s28;
	s2 =	sadd.s32 $0x70, s28;
	(erf) = vpow2.f32 v26  }
0x90: {  	v28 =	vmul.f32 v25, v28;
	p1 =	slt.u32 s26, $0x38;
	v26 =	vld [tilespmem:s5+$0x20];
	v22 =	vor.u32 s1, v5;
	(erf) = vpow2.f32 v29  }
0x91: {  	v31 =	vor.u32 s6, v5;
	s1 =	sadd.s32 $0x50, s28;
	v25 =	vld [tilespmem:s5+$0xFFFFE030];
	v29 =	vmul.f32 v34, v11;
	(erf) = vrcp.f32 v36  }
0x92: {  	v34 =	vor.u32 s1, v5;
	v35 =	vld.idx.msk [tilespmem:v35+s4+$0x0], $0xffff;
	(erf) = vpow2.f32 v33;
	[tilespmem:s24+$0xFFFFFFC0] =	vst v28;
	v28 =	vand.u32 $0x7FFFFFFF, v28  }
0x93: {  	s1 =	sadd.s32 $0x60, s28;
	v33 =	vmul.f32 v39, v4;
	v11 =	vld [tilespmem:s5+$0xFFFFE040];
	v27 =	vmax.f32 v27, v28;
	(erf) = vrcp.f32 v18;
	v18 =	vpop (erf)  }
0x94: {  	v36 =	vor.u32 s1, v5;
	v28 =	vld [tilespmem:s5+$0xFFFFE000];
	(erf) = vpow2.f32 v24;
	v24 =	vpop (erf);
	v42 =	vmul.f32 v18, v14  }
0x95: {  	v14 =	vld [tilespmem:s5+$0x10];
	v47 =	vmul.f32 $1.442695020e+00, v33;
	v33 =	vor.u32 s2, v5;
	v43 =	vmul.f32 v24, v19;
	v19 =	vpop (erf)  }
0x96: {  	v32 =	vadd.f32 $1.000000000e+00, v32;
	v29 =	vmul.f32 v30, v29;
	v41 =	vld.idx.msk [tilespmem:v41+s4+$0x0], $0xffff;
	v24 =	vmul.f32 v25, v4;
	v30 =	vpop (erf);
	[tilespmem:s24+$0x20] =	vst v42  }
0x97: {  	v19 =	vmul.f32 v19, v6;
	v6 =	vmov v17;
	v44 =	vld [tilespmem:s5+$0xFFFFE010];
	(erf) = vpow2.f32 v47;
	[tilespmem:s25+$0xFFFFFFE0] =	vst v43;
	v45 =	vpop (erf)  }
0x98: {  	v20 =	vmul.f32 v20, v9;
	v9 =	vmov v37;
	v17 =	vmul.f32 $1.442695020e+00, v24;
	v46 =	vld [tilespmem:s5+$0xFFFFE050];
	v18 =	vpop (erf)  }
0x99: {  	v24 =	vmul.f32 v11, v4;
	v37 =	vld [tilespmem:s5+$0xFFFFE060];
	v47 =	vpop (erf);
	(erf) = vpow2.f32 v23;
	[tilespmem:s24+$0xFFFFFFD0] =	vst v19;
	v19 =	vand.u32 $0x7FFFFFFF, v19  }
0x9a: {  	v23 =	vmul.f32 v38, v28;
	v38 =	vmul.f32 v26, v39;
	v19 =	vmax.f32 v27, v19;
	[tilespmem:s24+$0xFFFFFFF0] =	vst v20;
	v27 =	vpop (erf)  }
0x9b: {  	v39 =	vld.idx.msk [tilespmem:v40+s4+$0x0], $0xffff;
	v40 =	vmul.f32 $1.442695020e+00, v24;
	v48 =	vpop (erf);
	v19 =	vmax.f32 v19, v21;
	v21 =	vmul.f32 v45, v7  }
0x9c: {  	v47 =	vadd.f32 $1.000000000e+00, v47;
	v24 =	vmul.f32 v28, v4;
	v45 =	vld.idx.msk [tilespmem:v33+s4+$0x0], $0xffff;
	(erf) = vrcp.f32 v32;
	v7 =	vpop (erf)  }
0x9d: {  	v20 =	vand.u32 $0x7FFFFFFF, v20;
	v26 =	vmul.f32 v46, v4;
	v32 =	vld [tilespmem:s5+$0x70];
	v28 =	vpop (erf);
	v33 =	vmul.f32 v7, v8;
	[tilespmem:s24+$0x30] =	vst v21  }
0x9e: {  	v49 =	vmul.f32 v14, v44;
	v7 =	vmovc v13;
	v8 =	vmovc v15;
	v51 =	vmul.f32 v37, v4;
	v50 =	vld [tilespmem:s5+$0xFFFFE070];
	v28 =	vadd.f32 $1.000000000e+00, v28  }
0x9f: {  	v15 =	vmax.f32 v19, v20;
	v19 =	vmul.f32 v27, v10;
	v10 =	vmovc v29;
	v13 =	vld [tilespmem:s5+$0x50];
	v26 =	vmul.f32 $1.442695020e+00, v26;
	[tilespmem:s24+$0x10] =	vst v33  }
0xa0: {  	v27 =	vld.idx.msk [tilespmem:v34+s4+$0x0], $0xffff;
	v29 =	vmul.f32 $1.442695020e+00, v51;
	v20 =	vpop (erf);
	(erf) = vpow2.f32 v17;
	v17 =	vand.u32 $0x7FFFFFFF, v33  }
0xa1: {  	v14 =	vmovc v16;
	v33 =	vmul.f32 v44, v4;
	(erf) = vrcp.f32 v28;
	[tilespmem:s24+$0x0] =	vst v19;
	v19 =	vand.u32 $0x7FFFFFFF, v19;
	s24 =	smov.u32 s25  }
0xa2: {  	v24 =	vmul.f32 $1.442695020e+00, v24;
	v28 =	vmul.f32 v35, v12;
	v16 =	vpop (erf);
	v19 =	vmax.f32 v15, v19  }
0xa3: {  	v34 =	vadd.f32 $1.000000000e+00, v20;
	v12 =	vmovc v23;
	v15 =	vld [tilespmem:s5+$0x60];
	v44 =	vmul.f32 v50, v4;
	v35 =	vmax.f32 v19, v17  }
0xa4: {  	v17 =	vmul.f32 v39, v49;
	v32 =	vmul.f32 v32, v50;
	v39 =	vld.idx.msk [tilespmem:v36+s4+$0x0], $0xffff;
	v36 =	vand.u32 $0x7FFFFFFF, v42  }
0xa5: {  	v21 =	vand.u32 $0x7FFFFFFF, v21;
	v19 =	vmul.f32 v41, v38;
	v41 =	vld [tilespmem:s5+$0x30];
	v23 =	vmul.f32 $1.442695020e+00, v44;
	v20 =	vpop (erf)  }
0xa6: {  	v33 =	vmul.f32 $1.442695020e+00, v33;
	v42 =	vadd.f32 $1.000000000e+00, v48;
	v35 =	vmax.f32 v35, v36;
	v31 =	vld.idx.msk [tilespmem:v31+s4+$0x0], $0xffff  }
.Ltmp0:
0xa7: {  	v38 =	vadd.f32 $1.000000000e+00, v16;
	v44 =	vmul.f32 v13, v46;
	v13 =	vmul.f32 v45, v32;
	(pc) =	sbr.rel @p1 .LBB2_4-.Ltmp0, $4  }
0xa8: {  	v36 =	vadd.f32 $1.000000000e+00, v30;
	v16 =	vmul.f32 v15, v37;
	(erf) = vrcp.f32 v47  }
0xa9: {  	v15 =	vmul.f32 v27, v44;
	v27 =	vmax.f32 v35, v21;
	(erf) = vrcp.f32 v34;
	v32 =	vpop (erf)  }
0xaa: {  	v21 =	vand.u32 $0x7FFFFFFF, v43;
	v37 =	vmul.f32 v41, v25;
	v34 =	vld [tilespmem:s5+$0x40];
	v25 =	vpop (erf);
	(erf) = vrcp.f32 v42  }
0xab: {  	s25 =	sadd.s32 $0x80, s25;
	v35 =	vor.u32 s28, v5;
	s28 =	sadd.s32 $0x80, s28;
	v16 =	vmul.f32 v39, v16;
	s5 =	sadd.s32 $0x400, s5;
	v30 =	vld.idx.msk [tilespmem:v22+s4+$0x0], $0xffff;
	(erf) = vpow2.f32 v40  }
0xac: {  	(erf) = vrcp.f32 v38  }
0xad: {  	v5 =	vadd.f32 $1.000000000e+00, v18;
	(erf) = vpow2.f32 v26  }
0xae: {  	(erf) = vpow2.f32 v29  }
0xaf: {  	(erf) = vrcp.f32 v36  }
0xb0: {  	(erf) = vpow2.f32 v33  }
0xb1: {  	(erf) = vrcp.f32 v5;
	v5 =	vpop (erf)  }
0xb2: {  	(erf) = vpow2.f32 v24;
	v18 =	vpop (erf)  }
0xb3: {  	v22 =	vpop (erf)  }
0xb4: {  	v57 =	vpop (erf)  }
0xb5: {  	v58 =	vpop (erf)  }
0xb6: {  	v59 =	vpop (erf);
	(erf) = vpow2.f32 v23  }
0xb7: {  	v60 =	vpop (erf)  }
0xb8: {  	v61 =	vpop (erf)  }
0xb9: {  	v62 =	vpop (erf)  }
0xba: {  	v63 =	vpop (erf)  }
0xbb: {  	v32 =	vadd.f32 $1.000000000e+00, v32;
	v39 =	vpop (erf)  }
0xbc: {  	v25 =	vmul.f32 v25, v28;
	v39 =	vadd.f32 $1.000000000e+00, v39  }
0xbd: {  	v23 =	vadd.f32 $1.000000000e+00, v60;
	(erf) = vrcp.f32 v32  }
0xbe: {  	v43 =	vand.u32 $0x7FFFFFFF, v25;
	v40 =	vadd.f32 $1.000000000e+00, v62;
	(erf) = vrcp.f32 v39  }
0xbf: {  	v9 =	vmul.f32 v20, v9;
	v46 =	vmax.f32 v27, v43;
	(erf) = vrcp.f32 v23;
	v41 =	vpop (erf)  }
0xc0: {  	v6 =	vmul.f32 v22, v6;
	v23 =	vadd.f32 $1.000000000e+00, v41;
	(erf) = vrcp.f32 v40  }
0xc1: {  	v5 =	vmul.f32 v5, v14;
	v18 =	vmul.f32 v18, v19;
	v24 =	vadd.f32 $1.000000000e+00, v57  }
0xc2: {  	v44 =	vld.idx.msk [tilespmem:v35+s4+$0x0], $0xffff;
	v14 =	vand.u32 $0x7FFFFFFF, v6;
	v45 =	vadd.f32 $1.000000000e+00, v59;
	(erf) = vrcp.f32 v23  }
0xc3: {  	v14 =	vmax.f32 v46, v14;
	v10 =	vmul.f32 v61, v10;
	(erf) = vrcp.f32 v24  }
0xc4: {  	v19 =	vand.u32 $0x7FFFFFFF, v9;
	v14 =	vmax.f32 v14, v21;
	(erf) = vrcp.f32 v45  }
0xc5: {  	v14 =	vmax.f32 v14, v19;
	v19 =	vand.u32 $0x7FFFFFFF, v10  }
0xc6: {  	v42 =	vmul.f32 v31, v37;
	v8 =	vmul.f32 v63, v8;
	v20 =	vpop (erf)  }
0xc7: {  	v11 =	vmul.f32 v34, v11;
	v12 =	vmul.f32 v44, v12;
	v47 =	vpop (erf)  }
0xc8: {  	v7 =	vmul.f32 v58, v7;
	v14 =	vmax.f32 v14, v19;
	v48 =	vand.u32 $0x7FFFFFFF, v8;
	v19 =	vpop (erf)  }
0xc9: {  	v49 =	vand.u32 $0x7FFFFFFF, v5;
	v14 =	vmax.f32 v14, v48;
	v12 =	vmul.f32 v47, v12;
	v50 =	vpop (erf)  }
0xca: {  	v51 =	vand.u32 $0x7FFFFFFF, v7;
	v14 =	vmax.f32 v14, v49;
	v17 =	vmul.f32 v50, v17  }
0xcb: {  	v11 =	vmul.f32 v30, v11;
	v14 =	vmax.f32 v14, v51;
	v52 =	vand.u32 $0x7FFFFFFF, v12;
	v53 =	vpop (erf)  }
0xcc: {  	v20 =	vmul.f32 v20, v42;
	v14 =	vmax.f32 v14, v52;
	v54 =	vand.u32 $0x7FFFFFFF, v17;
	v55 =	vpop (erf)  }
0xcd: {  	v56 =	vand.u32 $0x7FFFFFFF, v18;
	v14 =	vmax.f32 v14, v54;
	v57 =	vpop (erf);
	v11 =	vmul.f32 v55, v11  }
0xce: {  	v58 =	vand.u32 $0x7FFFFFFF, v20;
	v14 =	vmax.f32 v14, v56;
	v15 =	vmul.f32 v57, v15  }
0xcf: {  	v16 =	vmul.f32 v19, v16;
	v14 =	vmax.f32 v14, v58;
	v19 =	vand.u32 $0x7FFFFFFF, v11  }
0xd0: {  	v13 =	vmul.f32 v53, v13;
	v21 =	vand.u32 $0x7FFFFFFF, v15;
	v14 =	vmax.f32 v14, v19  }
0xd1: {  	v19 =	vand.u32 $0x7FFFFFFF, v16;
	v14 =	vmax.f32 v14, v21  }
0xd2: {  	v59 =	vand.u32 $0x7FFFFFFF, v13;
	v14 =	vmax.f32 v14, v19  }
0xd3: {  	[tilespmem:s24+$0xFFFFFFC0] =	vst v25;
	v14 =	vmax.f32 v14, v59  }
0xd4: {  	[tilespmem:s24+$0xFFFFFFF0] =	vst v9;
	(xrf0) =	vmax.scan.msk.f32 $0xffff, v14  }
0xd5: {  	[tilespmem:s24+$0x20] =	vst v5  }
0xd6: {  	[tilespmem:s25+$0xFFFFFFE0] =	vst v18  }
0xd7: {  	[tilespmem:s24+$0xFFFFFFD0] =	vst v6  }
0xd8: {  	[tilespmem:s24+$0x30] =	vst v7  }
0xd9: {  	[tilespmem:s24+$0x0] =	vst v10  }
0xda: {  	[tilespmem:s24+$0x10] =	vst v8;
	v5, _, _ =	vpop (xrf0)  }
0xdb: {  	[tilespmem:s25+$0xFFFFFFF0] =	vst v20;
	v5 =	vbroadcast v5, $0xF  }
0xdc: {  	s1 =	sor.u32 s17, s22;
	[tilespmem:s25+$0xFFFFFFC0] =	vst v12  }
0xdd: {  	v6 =	vmov s1;
	[tilespmem:s25+$0x20] =	vst v16;
	v5 =	vmul.f32 v5, v1  }
0xde: {  	[tilespmem:s25+$0xFFFFFFD0] =	vst v17  }
0xdf: {  	[tilespmem:s25+$0x30] =	vst v13;
	v5 =	vmax.f32 v5, $9.999999930e-09  }
0xe0: {  	[tilespmem:s25+$0x0] =	vst v11;
	(erf) = vrcp.f32 v5  }
0xe1: {  	[tilespmem:s25+$0x10] =	vst v15  }
0xe2: {  	s5 =	simm.s32 $0x0;
	s24 =	simm.s32 $0x18710;
	[tilespmem:v6+s21+$0x0] =	vst.idx.msk $0x1, v5  }
0xe3: {  	s26 =	sand.u32 $0xC0, s5;
	v5 =	vld [tilespmem:s24+$0xFFFFFDF0]  }
0xe4: {  	v7 =	vld [tilespmem:s26+$0x18600]  }
0xe5: {  	v8 =	vld [tilespmem:s26+$0x18700]  }
0xe6: {  	v9 =	vld [tilespmem:s24+$0xFFFFFF00]  }
0xe7: {  	v10 =	vld [tilespmem:s26+$0x18800]  }
0xe8: {  	v11 =	vld [tilespmem:s24+$0xFFFFFF10]  }
0xe9: {  	v13 =	vld [tilespmem:s24+$0xFFFFFF20];
	v6 =	vpop (erf)  }
0xea: {  	v5 =	vmul.f32 v5, v6  }
0xeb: {  	v7 =	vmul.f32 v7, v6;
	v8 =	vmul.f32 v8, v6  }
0xec: {  	v9 =	vmul.f32 v9, v6;
	v10 =	vmul.f32 v10, v6  }
0xed: {  	v11 =	vmul.f32 v11, v6;
	v12 =	vadd.f32 $1.258291200e+07, v5;
	v7 =	vadd.f32 $1.258291200e+07, v7  }
0xee: {  	v13 =	vmul.f32 v13, v6;
	v8 =	vadd.f32 $1.258291200e+07, v8;
	v9 =	vadd.f32 $1.258291200e+07, v9  }
0xef: {  	v10 =	vadd.f32 $1.258291200e+07, v10;
	v11 =	vadd.f32 $1.258291200e+07, v11  }
0xf0: {  	v13 =	vadd.f32 $1.258291200e+07, v13;
	v12 =	vadd.f32 $-1.258291200e+07, v12  }
0xf1: {  	v7 =	vadd.f32 $-1.258291200e+07, v7;
	v8 =	vadd.f32 $-1.258291200e+07, v8  }
0xf2: {  	v10 =	vadd.f32 $-1.258291200e+07, v10;
	v9 =	vadd.f32 $-1.258291200e+07, v9;
	v12 =	vtrunc.f32 v12  }
0xf3: {  	v14 =	vld [tilespmem:s24+$0xFFFFFE00];
	v11 =	vadd.f32 $-1.258291200e+07, v11;
	v7 =	vtrunc.f32 v7;
	v8 =	vtrunc.f32 v8  }
0xf4: {  	v15 =	vld [tilespmem:s24+$0x0];
	v10 =	vtrunc.f32 v10;
	v9 =	vtrunc.f32 v9  }
0xf5: {  	v16 =	vld [tilespmem:s24+$0xFFFFFE10];
	v13 =	vadd.f32 $-1.258291200e+07, v13;
	v11 =	vtrunc.f32 v11;
	v7 =	vcvt.f32.s32 v7  }
0xf6: {  	v18 =	vld [tilespmem:s24+$0xFFFFFE20];
	v5 =	vmov s23;
	v12 =	vcvt.f32.s32 v12;
	v8 =	vcvt.f32.s32 v8  }
0xf7: {  	v60 =	vld [tilespmem:s24+$0x110];
	v13 =	vtrunc.f32 v13;
	v10 =	vcvt.f32.s32 v10;
	v7 =	vshll.u32 v7, $0x8  }
0xf8: {  	v17 =	vld [tilespmem:s24+$0x10];
	v12 =	vand.u32 $0xFF, v12;
	v8 =	vshll.u32 v8, $0x10;
	v7 =	vand.u32 $0xFF00, v7  }
0xf9: {  	v19 =	vld [tilespmem:s24+$0x20];
	v9 =	vcvt.f32.s32 v9;
	v8 =	vand.u32 $0xFF0000, v8;
	v7 =	vor.u32 v12, v7  }
0xfa: {  	v20 =	vld [tilespmem:s24+$0x100];
	v11 =	vcvt.f32.s32 v11;
	v12 =	vmul.f32 v14, v6;
	v7 =	vor.u32 v8, v7  }
0xfb: {  	v8 =	vshll.u32 v10, $0x18;
	v10 =	vmul.f32 v15, v6;
	v15 =	vmul.f32 v18, v6  }
0xfc: {  	v18 =	vmul.f32 v60, v6;
	v61 =	vor.u32 v8, v7;
	v7 =	vmul.f32 v16, v6  }
0xfd: {  	v14 =	vld [tilespmem:s24+$0x120];
	v8 =	vmul.f32 v17, v6;
	v12 =	vadd.f32 $1.258291200e+07, v12;
	v10 =	vadd.f32 $1.258291200e+07, v10  }
0xfe: {  	v16 =	vmul.f32 v19, v6;
	v15 =	vadd.f32 $1.258291200e+07, v15;
	v18 =	vadd.f32 $1.258291200e+07, v18  }
0xff: {  	v17 =	vmul.f32 v20, v6;
	v7 =	vadd.f32 $1.258291200e+07, v7;
	v8 =	vadd.f32 $1.258291200e+07, v8  }
0x100: {  	v63 =	vshll.u32 v11, $0x8;
	v16 =	vadd.f32 $1.258291200e+07, v16;
	v12 =	vadd.f32 $-1.258291200e+07, v12  }
0x101: {  	v19 =	vcvt.f32.s32 v13;
	v17 =	vadd.f32 $1.258291200e+07, v17;
	v10 =	vadd.f32 $-1.258291200e+07, v10  }
0x102: {  	v14 =	vmul.f32 v14, v6;
	v15 =	vadd.f32 $-1.258291200e+07, v15;
	v18 =	vadd.f32 $-1.258291200e+07, v18  }
0x103: {  	v7 =	vadd.f32 $-1.258291200e+07, v7;
	v8 =	vadd.f32 $-1.258291200e+07, v8;
	v12 =	vtrunc.f32 v12  }
0x104: {  	v16 =	vadd.f32 $-1.258291200e+07, v16;
	v10 =	vtrunc.f32 v10;
	v15 =	vtrunc.f32 v15  }
0x105: {  	v13 =	vadd.f32 $1.258291200e+07, v14;
	v20 =	vcvt.f32.s32 v12;
	v11 =	vtrunc.f32 v18  }
0x106: {  	s31 =	simm.s32 $0x30;
	v14 =	vadd.f32 $-1.258291200e+07, v17;
	v7 =	vtrunc.f32 v7;
	v17 =	vtrunc.f32 v8  }
0x107: {  	s2 =	simm.s32 $0x10;
	s6 =	simm.s32 $0x20;
	s23 =	simm.s32 $0x0;
	v62 =	vshll.u32 v9, $0x8;
	v12 =	vtrunc.f32 v16;
	v8 =	vcvt.f32.s32 v10  }
0x108: {  	s2 =	sand.u32 $0x50, s2;
	s5 =	sand.u32 $0x40, s5;
	s9 =	sand.u32 $0x400, s23;
	v16 =	vadd.f32 $-1.258291200e+07, v13;
	v9 =	vcvt.f32.s32 v7;
	v13 =	vcvt.f32.s32 v17  }
0x109: {  	s6 =	sand.u32 $0x60, s6;
	s1 =	sand.u32 $0x70, s31;
	s26 =	sor.u32 $0x18900, s9;
	v10 =	vand.u32 $0xFF00, v62;
	v7 =	vcvt.f32.s32 v15;
	v14 =	vtrunc.f32 v14  }
0x10a: {  	s25 =	simm.s32 $0x0;
	s28 =	sor.u32 s5, s26;
	s9 =	sor.u32 s2, s26;
	v17 =	vshll.u32 v19, $0x8;
	v15 =	vcvt.f32.s32 v12;
	v18 =	vand.u32 $0xFF, v20  }
0x10b: {  	s5 =	sor.u32 s6, s26;
	[tilespmem:v5+s28+$0x0 ss:$0x1] =	vst.idx.msk $0xffff, v61;
	s28 =	sor.u32 s1, s26;
	s26 =	simm.s32 $0x70;
	v17 =	vand.u32 $0xFF00, v17;
	v12 =	vtrunc.f32 v16;
	v16 =	vand.u32 $0xFF00, v63  }
.LBB2_6:
0x10c: {  	s31 =	sadd.s32 $0xFFFFFFD0, s26;
	s25 =	sadd.s32 $0x4, s25;
	v8 =	vshll.u32 v8, $0x10;
	v9 =	vand.u32 $0xFF, v9;
	v13 =	vshll.u32 v13, $0x10;
	s24 =	sadd.s32 $0x40, s24  }
0x10d: {  	s1 =	sadd.s32 $0xFFFFFFE0, s26;
	v14 =	vcvt.f32.s32 v14;
	v7 =	vand.u32 $0xFF, v7;
	v15 =	vshll.u32 v15, $0x10;
	v19 =	vld [tilespmem:s24+$0xFFFFFDF0];
	s7 =	sand.u32 $0xC0, s31;
	p1 =	slt.u32 s25, $0xC  }
0x10e: {  	s6 =	sadd.s32 $0xFFFFFFF0, s26;
	s2 =	sand.u32 $0x70, s26;
	v10 =	vor.u32 v18, v10;
	v11 =	vcvt.f32.s32 v11;
	v12 =	vcvt.f32.s32 v12;
	s1 =	sand.u32 $0x50, s1;
	v20 =	vld [tilespmem:s7+$0x18600]  }
0x10f: {  	s6 =	sand.u32 $0x60, s6;
	v8 =	vand.u32 $0xFF0000, v8;
	v9 =	vor.u32 v9, v16;
	v7 =	vor.u32 v7, v17;
	v18 =	vld [tilespmem:s7+$0x18700]  }
0x110: {  	v8 =	vor.u32 v8, v10;
	v10 =	vand.u32 $0xFF0000, v13;
	v13 =	vand.u32 $0xFF0000, v15;
	v16 =	vld [tilespmem:s24+$0xFFFFFF00]  }
0x111: {  	v14 =	vshll.u32 v14, $0x18;
	v9 =	vor.u32 v10, v9;
	v7 =	vor.u32 v13, v7;
	v15 =	vld [tilespmem:s7+$0x18800]  }
0x112: {  	v11 =	vshll.u32 v11, $0x18;
	v12 =	vshll.u32 v12, $0x18;
	v10 =	vmul.f32 v19, v6;
	v13 =	vld [tilespmem:s24+$0xFFFFFF10]  }
0x113: {  	v8 =	vor.u32 v14, v8;
	v9 =	vor.u32 v11, v9;
	v17 =	vmul.f32 v20, v6;
	v19 =	vld [tilespmem:s24+$0xFFFFFF20]  }
0x114: {  	v7 =	vor.u32 v12, v7;
	v10 =	vadd.f32 $1.258291200e+07, v10;
	v11 =	vmul.f32 v18, v6;
	v14 =	vld [tilespmem:s24+$0xFFFFFE00];
	[tilespmem:v5+s9+$0x0 ss:$0x1] =	vst.idx.msk $0xffff, v8  }
0x115: {  	v8 =	vadd.f32 $1.258291200e+07, v17;
	v12 =	vmul.f32 v16, v6;
	v16 =	vld [tilespmem:s24+$0x0];
	[tilespmem:v5+s5+$0x0 ss:$0x1] =	vst.idx.msk $0xffff, v9  }
0x116: {  	v9 =	vadd.f32 $-1.258291200e+07, v10;
	v10 =	vadd.f32 $1.258291200e+07, v11;
	v11 =	vmul.f32 v15, v6;
	v15 =	vld [tilespmem:s24+$0xFFFFFE10];
	[tilespmem:v5+s28+$0x0 ss:$0x1] =	vst.idx.msk $0xffff, v7  }
0x117: {  	v7 =	vadd.f32 $-1.258291200e+07, v8;
	v8 =	vadd.f32 $1.258291200e+07, v12;
	v12 =	vmul.f32 v13, v6;
	v13 =	vld [tilespmem:s24+$0x10]  }
0x118: {  	v9 =	vtrunc.f32 v9;
	v10 =	vadd.f32 $-1.258291200e+07, v10;
	v11 =	vadd.f32 $1.258291200e+07, v11;
	v17 =	vld [tilespmem:s24+$0xFFFFFE20]  }
0x119: {  	v9 =	vcvt.f32.s32 v9;
	v7 =	vtrunc.f32 v7;
	v12 =	vadd.f32 $1.258291200e+07, v12;
	v18 =	vld [tilespmem:s24+$0x20]  }
0x11a: {  	v7 =	vcvt.f32.s32 v7;
	v10 =	vtrunc.f32 v10;
	v11 =	vadd.f32 $-1.258291200e+07, v11;
	v20 =	vld [tilespmem:s24+$0x100]  }
0x11b: {  	v19 =	vmul.f32 v19, v6;
	v8 =	vadd.f32 $-1.258291200e+07, v8;
	v10 =	vcvt.f32.s32 v10;
	v21 =	vld [tilespmem:s24+$0x110]  }
0x11c: {  	v9 =	vand.u32 $0xFF, v9;
	v7 =	vshll.u32 v7, $0x8;
	v11 =	vtrunc.f32 v11;
	v22 =	vld [tilespmem:s24+$0x120]  }
0x11d: {  	s23 =	sadd.s32 $0x200, s23;
	v7 =	vand.u32 $0xFF00, v7;
	v10 =	vshll.u32 v10, $0x10;
	v11 =	vcvt.f32.s32 v11  }
0x11e: {  	s5 =	sand.u32 $0x400, s23;
	v7 =	vor.u32 v9, v7;
	v9 =	vand.u32 $0xFF0000, v10;
	v10 =	vmul.f32 v14, v6  }
0x11f: {  	s7 =	sand.u32 $0x40, s31;
	s28 =	sor.u32 $0x18900, s5;
	v7 =	vor.u32 v9, v7;
	v9 =	vshll.u32 v11, $0x18;
	v11 =	vmul.f32 v16, v6  }
0x120: {  	s7 =	sor.u32 s7, s28;
	s9 =	sor.u32 s1, s28;
	s5 =	sor.u32 s6, s28;
	v13 =	vmul.f32 v13, v6;
	v7 =	vor.u32 v9, v7;
	v9 =	vmul.f32 v15, v6  }
0x121: {  	s28 =	sor.u32 s2, s28;
	v14 =	vadd.f32 $1.258291200e+07, v19;
	v15 =	vmul.f32 v18, v6;
	[tilespmem:v5+s7+$0x0 ss:$0x1] =	vst.idx.msk $0xffff, v7;
	v7 =	vmul.f32 v17, v6  }
0x122: {  	v16 =	vmul.f32 v20, v6;
	v10 =	vadd.f32 $1.258291200e+07, v10;
	v11 =	vadd.f32 $1.258291200e+07, v11  }
0x123: {  	v13 =	vadd.f32 $1.258291200e+07, v13;
	v17 =	vmul.f32 v21, v6;
	v9 =	vadd.f32 $1.258291200e+07, v9  }
0x124: {  	v18 =	vmul.f32 v22, v6;
	v15 =	vadd.f32 $1.258291200e+07, v15;
	v7 =	vadd.f32 $1.258291200e+07, v7  }
0x125: {  	v8 =	vtrunc.f32 v8;
	v12 =	vadd.f32 $-1.258291200e+07, v12;
	v14 =	vadd.f32 $-1.258291200e+07, v14  }
0x126: {  	v8 =	vcvt.f32.s32 v8;
	v10 =	vadd.f32 $-1.258291200e+07, v10;
	v11 =	vadd.f32 $-1.258291200e+07, v11  }
0x127: {  	v12 =	vtrunc.f32 v12;
	v13 =	vadd.f32 $-1.258291200e+07, v13;
	v9 =	vadd.f32 $-1.258291200e+07, v9  }
0x128: {  	v14 =	vtrunc.f32 v14;
	v15 =	vadd.f32 $-1.258291200e+07, v15;
	v7 =	vadd.f32 $-1.258291200e+07, v7  }
0x129: {  	v12 =	vcvt.f32.s32 v12;
	v16 =	vadd.f32 $1.258291200e+07, v16;
	v17 =	vadd.f32 $1.258291200e+07, v17  }
0x12a: {  	v19 =	vcvt.f32.s32 v14;
	v14 =	vadd.f32 $1.258291200e+07, v18;
	v10 =	vtrunc.f32 v10  }
0x12b: {  	v16 =	vadd.f32 $-1.258291200e+07, v16;
	v11 =	vtrunc.f32 v11;
	v9 =	vtrunc.f32 v9  }
0x12c: {  	v13 =	vtrunc.f32 v13;
	v17 =	vadd.f32 $-1.258291200e+07, v17;
	v7 =	vtrunc.f32 v7  }
0x12d: {  	v18 =	vcvt.f32.s32 v10;
	v20 =	vadd.f32 $-1.258291200e+07, v14;
	v10 =	vtrunc.f32 v15  }
.Ltmp1:
0x12e: {  	v21 =	vshll.u32 v8, $0x8;
	v8 =	vcvt.f32.s32 v11;
	v9 =	vcvt.f32.s32 v9;
	(pc) =	sbr.rel @p1 .LBB2_6-.Ltmp1, $4  }
0x12f: {  	v22 =	vshll.u32 v12, $0x8;
	v13 =	vcvt.f32.s32 v13;
	v7 =	vcvt.f32.s32 v7  }
0x130: {  	v14 =	vtrunc.f32 v16;
	v19 =	vshll.u32 v19, $0x8;
	v15 =	vcvt.f32.s32 v10  }
0x131: {  	v10 =	vand.u32 $0xFF00, v21;
	v11 =	vtrunc.f32 v17;
	v12 =	vtrunc.f32 v20  }
0x132: {  	s26 =	sadd.s32 $0x40, s26;
	v16 =	vand.u32 $0xFF00, v22;
	v18 =	vand.u32 $0xFF, v18;
	v17 =	vand.u32 $0xFF00, v19  }
0x133: {  	v6 =	vshll.u32 v8, $0x10  }
0x134: {  	v57 =	vand.u32 $0xFF, v9;
	v58 =	vshll.u32 v13, $0x10;
	v59 =	vcvt.f32.s32 v14  }
0x135: {  	v7 =	vand.u32 $0xFF, v7;
	v60 =	vshll.u32 v15, $0x10;
	v10 =	vor.u32 v18, v10  }
0x136: {  	v11 =	vcvt.f32.s32 v11;
	v12 =	vcvt.f32.s32 v12;
	s22 =	sadd.s32 $0x1, s22;
	v6 =	vand.u32 $0xFF0000, v6  }
0x137: {  	v8 =	vor.u32 v57, v16;
	v7 =	vor.u32 v7, v17;
	v9 =	vand.u32 $0xFF0000, v58;
	p1 =	sne.s32 s22, $0x8  }
.Ltmp2:
0x138: {  	v61 =	vand.u32 $0xFF0000, v60;
	v6 =	vor.u32 v6, v10;
	v13 =	vshll.u32 v59, $0x18;
	(pc) =	sbr.rel @p1 .LBB2_3-.Ltmp2, $4  }
0x139: {  	v8 =	vor.u32 v9, v8;
	v62 =	vshll.u32 v11, $0x18;
	v6 =	vor.u32 v13, v6  }
0x13a: {  	v7 =	vor.u32 v61, v7;
	v63 =	vshll.u32 v12, $0x18;
	v8 =	vor.u32 v62, v8;
	[tilespmem:v5+s9+$0x0 ss:$0x1] =	vst.idx.msk $0xffff, v6  }
0x13b: {  	v6 =	vor.u32 v63, v7;
	[tilespmem:v5+s5+$0x0 ss:$0x1] =	vst.idx.msk $0xffff, v8  }
0x13c: {  	s19 =	sadd.s32 $0x80, s19;
	[tilespmem:v5+s28+$0x0 ss:$0x1] =	vst.idx.msk $0xffff, v6  }
0x13d: {  	s1 =	rddreg [dreg:$0x7]  }
0x13e: {  	s1 =	sadd.s32 s1, s17  }
0x13f: {  	s2 =	rddreg [dreg:$0x3];
	s1 =	sshll.u32 s1, $0x5  }
0x140: {  	s28 =	simm.s32 $0x18900;
	p1 =	seq.s32 s18, $0x3F;
	s1 =	sadd.s32 s2, s1  }
0x141: {  	[hbm4b:s1+s4] =	stream.linear.scatter [tilespmem:s28], [sflag:$0x3], $0x800, $0x38;
	[tilespmem:$0x19D80] =	vst v63  }
0x142: {  	s1 =	sshll.u32 @!p1 s18, $0x4  }
0x143: {  	s1 =	sand.u32 @!p1 $0x3FFFFFF0, s1  }
0x144: {  	v5 =	vld.msk @!p1 [tilespmem:s1+$0x18010], $0xff;
	_ =	sdelay $0x4  }
0x145: {  	v6 =	vshll.u32 @!p1 v5, $0x4  }
0x146: {  	v7 =	vlaneseq.u32 @!p1;
	v5 =	vand.u32 @!p1 $0x7, v5;
	v6 =	vand.u32 @!p1 $0xFFFFFF80, v6  }
0x147: {  	v5 =	vor.u32 @!p1 v5, v6;
	v6 =	vand.u32 @!p1 $0x7, v7;
	v7 =	vshrl.u32 @!p1 v7, $0x3  }
0x148: {  	v5 =	vperm.xlane @!p1 v5, v6;
	v6 =	vmul.u32 @!p1 $0x8, v7;
	_ =	sdelay $0x1  }
0x149: {  	v5 =	vadd.s32 @!p1 v6, v5;
	_ =	sdelay $0x3  }
0x14a: {  	vm1 =	vmmov @!p1 $0xffff;
	s3 =	simm.s32 @!p1 $0x10000;
	s2 =	simm.s32 @!p1 $0x0  }
0x14b: {  	[tilespmem:s3], [sflag:$0x1] =	stream.indirect_vreg.gather @!p1 [hbm4b:s10+s2], $0x80, v5, vm1, $0xb8;
	[tilespmem:$0x19D80] =	vst v63  }
0x14c: {  	s5 =	rddreg [dreg:$0xb];
	s3 =	simm.s32 @!p1 $0x10800  }
0x14d: {  	[tilespmem:s3], [sflag:$0x1] =	stream.indirect_vreg.gather @!p1 [hbm4b:s5+s2], $0x80, v5, vm1, $0xb8;
	[tilespmem:$0x19D80] =	vst v63  }
0x14e: {  	s3 =	simm.s32 @!p1 $0x11000  }
0x14f: {  	[tilespmem:s3], [sflag:$0x1] =	stream.indirect_vreg.gather @!p1 [hbm4b:s11+s2], $0x80, v5, vm1, $0xb8;
	[tilespmem:$0x19D80] =	vst v63  }
0x150: {  	s3 =	simm.s32 @!p1 $0x11800  }
0x151: {  	[tilespmem:s3], [sflag:$0x1] =	stream.indirect_vreg.gather @!p1 [hbm4b:s12+s2], $0x80, v5, vm1, $0xb8;
	[tilespmem:$0x19D80] =	vst v63  }
0x152: {  	s3 =	simm.s32 @!p1 $0x12000  }
0x153: {  	[tilespmem:s3], [sflag:$0x1] =	stream.indirect_vreg.gather @!p1 [hbm4b:s13+s2], $0x80, v5, vm1, $0xb8;
	[tilespmem:$0x19D80] =	vst v63  }
0x154: {  	s3 =	simm.s32 @!p1 $0x12800  }
0x155: {  	[tilespmem:s3], [sflag:$0x1] =	stream.indirect_vreg.gather @!p1 [hbm4b:s14+s2], $0x80, v5, vm1, $0xb8;
	[tilespmem:$0x19D80] =	vst v63  }
0x156: {  	s3 =	simm.s32 @!p1 $0x13000  }
0x157: {  	[tilespmem:s3], [sflag:$0x1] =	stream.indirect_vreg.gather @!p1 [hbm4b:s15+s2], $0x80, v5, vm1, $0xb8;
	[tilespmem:$0x19D80] =	vst v63  }
0x158: {  	s1 =	sadd.s32 @!p1 $0x18010, s1;
	s3 =	simm.s32 @!p1 $0x13800  }
0x159: {  	[tilespmem:s3], [sflag:$0x1] =	stream.indirect_vreg.gather @!p1 [hbm4b:s16+s2], $0x80, v5, vm1, $0xb8;
	[tilespmem:$0x19D80] =	vst v63  }
0x15a: {  	s5 =	rddreg [dreg:$0x8];
	s2 =	simm.s32 @!p1 $0x8;
	s3 =	simm.s32 @!p1 $0x18400  }
0x15b: {  	[tilespmem:s3], [sflag:$0x1] =	stream.indirect.gather @!p1 [hbm4b:s5+s2], $0x1, s1, s2, $0xb8;
	[tilespmem:$0x19D80] =	vst v63  }
0x15c: {  	_ =	swait.ge [sflag:s8], $0x4000  }
0x15d: {  	[sflag:s8] =	ssyncset.done $0x0  }
0x15e: {  	[sflag:s8] =	ssyncadd.s32 $0xFFFFC000  }
0x15f: {  	_ =	swait.ge [sflag:s8], $0x8  }
0x160: {  	[sflag:s8] =	ssyncset.done $0x0  }
0x161: {  	s1 =	simm.s32 @!p0 $0x4;
	[sflag:s8] =	ssyncadd.s32 $0xFFFFFFF8  }
0x162: {  	_ =	swait.ge @!p0 [sflag:s1], $0x800  }
0x163: {  	s31 =	smov.u32 s10;
	s19 =	simm.s32 $0x0;
	[sflag:s1] =	ssyncset.done @!p0 $0x0  }
0x164: {  	s17 =	simm.s32 $0x16000;
	s3 =	simm.s32 $0x0;
	[sflag:s1] =	ssyncadd.s32 @!p0 $0xFFFFF800  }
.LBB2_9:
0x165: {  	v5 =	vmov s19;
	_ =	sdelay $0x1  }
0x166: {  	v6 =	vld [tilespmem:s17+$0xFFFFE020]  }
0x167: {  	v7 =	vld [tilespmem:s17+$0x0]  }
0x168: {  	v9 =	vld [tilespmem:s17+$0x20]  }
0x169: {  	v5 =	vld.idx.msk [tilespmem:v5+s29+$0x0], $0xffff  }
0x16a: {  	v10 =	vld [tilespmem:s17+$0xFFFFE030]  }
0x16b: {  	v12 =	vld [tilespmem:s17+$0xFFFFE040];
	v11 =	vmul.f32 v6, v4  }
0x16c: {  	v13 =	vld [tilespmem:s17+$0xFFFFE000]  }
0x16d: {  	v15 =	vld [tilespmem:s17+$0x10];
	v11 =	vmul.f32 $1.442695020e+00, v11  }
0x16e: {  	v17 =	vld [tilespmem:s17+$0xFFFFE010];
	v5 =	vshll.u32 v5, $0xA  }
0x16f: {  	s1 =	simm.s32 $0x20;
	(erf) = vpow2.f32 v11;
	v11 =	vld [tilespmem:s17+$0xFFFFE050];
	v5 =	vor.u32 v0, v5  }
0x170: {  	s28 =	simm.s32 $0x10;
	v19 =	vld [tilespmem:s17+$0xFFFFE060];
	v8 =	vor.u32 s1, v5  }
0x171: {  	s2 =	simm.s32 $0x70;
	v24 =	vld [tilespmem:s17+$0xFFFFE070];
	v14 =	vor.u32 s28, v5  }
0x172: {  	s5 =	simm.s32 $0x50;
	v27 =	vld [tilespmem:s17+$0x50];
	v16 =	vor.u32 s2, v5  }
0x173: {  	s6 =	simm.s32 $0x60;
	v23 =	vmul.f32 v7, v13;
	v7 =	vmul.f32 v9, v6;
	v9 =	vld [tilespmem:s17+$0x70];
	v20 =	vor.u32 s5, v5;
	s5 =	sadd.s32 $0x400, s17  }
0x174: {  	v22 =	vor.u32 s6, v5;
	v42 =	vld [tilespmem:s5+$0x50];
	v6 =	vmul.f32 v11, v4  }
0x175: {  	v18 =	vmul.f32 v10, v4;
	v21 =	vmul.f32 v12, v4;
	v8 =	vld.idx.msk [tilespmem:v8+s4+$0x0], $0xffff  }
0x176: {  	v13 =	vmul.f32 v13, v4;
	v26 =	vmul.f32 v19, v4;
	v14 =	vld.idx.msk [tilespmem:v14+s4+$0x0], $0xffff  }
0x177: {  	s7 =	simm.s32 $0x30;
	v15 =	vmul.f32 v15, v17;
	v17 =	vmul.f32 v17, v4;
	v16 =	vld.idx.msk [tilespmem:v16+s4+$0x0], $0xffff  }
0x178: {  	v18 =	vmul.f32 $1.442695020e+00, v18;
	v25 =	vor.u32 s7, v5;
	v28 =	vmul.f32 $1.442695020e+00, v6;
	v20 =	vld.idx.msk [tilespmem:v20+s4+$0x0], $0xffff;
	v6 =	vpop (erf)  }
0x179: {  	v31 =	vmul.f32 v24, v4;
	v21 =	vmul.f32 $1.442695020e+00, v21;
	v22 =	vld.idx.msk [tilespmem:v22+s4+$0x0], $0xffff;
	v30 =	vadd.f32 $1.000000000e+00, v6  }
0x17a: {  	v26 =	vmul.f32 $1.442695020e+00, v26;
	(erf) = vpow2.f32 v18;
	v18 =	vld [tilespmem:s17+$0x60]  }
0x17b: {  	s9 =	simm.s32 $0x40;
	v13 =	vmul.f32 $1.442695020e+00, v13;
	(erf) = vrcp.f32 v30;
	v30 =	vld [tilespmem:s17+$0x40]  }
0x17c: {  	v17 =	vmul.f32 $1.442695020e+00, v17;
	v29 =	vor.u32 s9, v5;
	v6 =	vmul.f32 v14, v15;
	v14 =	vld [tilespmem:s17+$0x30]  }
0x17d: {  	v9 =	vmul.f32 v9, v24;
	v15 =	vld.idx.msk [tilespmem:v25+s4+$0x0], $0xffff;
	v24 =	vmul.f32 v8, v7  }
0x17e: {  	v8 =	vmul.f32 v27, v11;
	v27 =	vld [tilespmem:s5+$0xFFFFE020];
	(erf) = vpow2.f32 v21  }
0x17f: {  	v25 =	vmul.f32 $1.442695020e+00, v31;
	v11 =	vld [tilespmem:s5+$0xFFFFE040];
	(erf) = vpow2.f32 v28  }
0x180: {  	v7 =	vmul.f32 v16, v9;
	v31 =	vld [tilespmem:s5+$0xFFFFE050];
	(erf) = vpow2.f32 v26  }
0x181: {  	v16 =	vld.idx.msk [tilespmem:v29+s4+$0x0], $0xffff;
	v9 =	vmul.f32 v18, v19;
	(erf) = vpow2.f32 v17  }
0x182: {  	v18 =	vor.u32 s3, v5;
	v8 =	vmul.f32 v20, v8;
	v20 =	vld [tilespmem:s5+$0x20];
	(erf) = vpow2.f32 v13  }
0x183: {  	v21 =	vld [tilespmem:s5+$0xFFFFE030];
	v10 =	vmul.f32 v14, v10;
	v17 =	vmul.f32 v27, v4  }
0x184: {  	s10 =	simm.s32 $0xA0;
	v19 =	vld [tilespmem:s5+$0x0];
	v14 =	vmul.f32 v22, v9;
	v29 =	vmul.f32 v11, v4  }
0x185: {  	v13 =	vpop (erf);
	v22 =	vor.u32 s10, v5;
	v42 =	vmul.f32 v42, v31;
	v9 =	vmul.f32 v15, v10;
	v15 =	vld [tilespmem:s5+$0xFFFFE000]  }
0x186: {  	s2 =	simm.s32 $0x90;
	v26 =	vld [tilespmem:s5+$0x10];
	v10 =	vmul.f32 v30, v12;
	v17 =	vmul.f32 $1.442695020e+00, v17;
	v12 =	vpop (erf)  }
0x187: {  	v28 =	vor.u32 s2, v5;
	v33 =	vld.idx.msk [tilespmem:v18+s4+$0x0], $0xffff;
	v20 =	vmul.f32 v20, v27;
	v30 =	vmul.f32 v12, v24  }
0x188: {  	v13 =	vadd.f32 $1.000000000e+00, v13;
	v12 =	vmul.f32 v21, v4;
	v10 =	vmul.f32 v16, v10;
	v16 =	vld [tilespmem:s5+$0xFFFFE060];
	v32 =	vpop (erf)  }
0x189: {  	s22 =	simm.s32 $0xF0;
	v39 =	vmul.f32 $1.442695020e+00, v29;
	(erf) = vpow2.f32 v17;
	v17 =	vld [tilespmem:s5+$0xFFFFE010];
	v18 =	vpop (erf)  }
0x18a: {  	s23 =	simm.s32 $0xD0;
	v34 =	vor.u32 s22, v5;
	v24 =	vmul.f32 $1.442695020e+00, v12;
	v12 =	vmul.f32 v19, v15;
	v19 =	vld.idx.msk [tilespmem:v22+s4+$0x0], $0xffff;
	v22 =	vpop (erf)  }
0x18b: {  	v36 =	vor.u32 s23, v5;
	v37 =	vld [tilespmem:s5+$0xFFFFE070];
	v27 =	vmul.f32 v31, v4;
	(erf) = vpow2.f32 v25;
	v35 =	vpop (erf)  }
0x18c: {  	v25 =	vld.idx.msk [tilespmem:v28+s4+$0x0], $0xffff;
	(erf) = vrcp.f32 v13;
	v15 =	vmul.f32 v15, v4;
	v13 =	vpop (erf)  }
0x18d: {  	s24 =	simm.s32 $0xE0;
	v38 =	vld [tilespmem:s5+$0x70];
	(erf) = vpow2.f32 v24;
	v28 =	vmul.f32 v16, v4;
	v13 =	vadd.f32 $1.000000000e+00, v13  }
0x18e: {  	s26 =	simm.s32 $0xB0;
	v41 =	vor.u32 s24, v5;
	v62 =	vld [tilespmem:s5+$0x30];
	v40 =	vmul.f32 v26, v17;
	v26 =	vmul.f32 $1.442695020e+00, v27  }
0x18f: {  	s25 =	simm.s32 $0xC0;
	v45 =	vor.u32 s26, v5;
	v34 =	vld.idx.msk [tilespmem:v34+s4+$0x0], $0xffff;
	v43 =	vmul.f32 v17, v4;
	(erf) = vrcp.f32 v13  }
0x190: {  	v44 =	vor.u32 s25, v5;
	v46 =	vld.idx.msk [tilespmem:v36+s4+$0x0], $0xffff;
	v24 =	vmul.f32 $1.442695020e+00, v15;
	v29 =	vmul.f32 $1.442695020e+00, v28  }
0x191: {  	v36 =	vadd.f32 $1.000000000e+00, v32;
	v15 =	vld [tilespmem:s5+$0x60];
	v28 =	vmul.f32 v33, v23;
	v17 =	vmul.f32 v25, v40  }
0x192: {  	v22 =	vadd.f32 $1.000000000e+00, v22;
	v25 =	vmul.f32 v38, v37;
	v33 =	vmul.f32 $1.442695020e+00, v43  }
0x193: {  	v41 =	vld.idx.msk [tilespmem:v41+s4+$0x0], $0xffff;
	v27 =	vimm.f32 $0.0e+00;
	v13 =	vmul.f32 v37, v4;
	v19 =	vmul.f32 v19, v20;
	v23 =	vpop (erf)  }
0x194: {  	v31 =	vld.idx.msk [tilespmem:v45+s4+$0x0], $0xffff;
	v37 =	vmul.f32 v62, v21;
	(erf) = vrcp.f32 v22;
	v63 =	vadd.f32 $1.000000000e+00, v23  }
0x195: {  	v35 =	vadd.f32 $1.000000000e+00, v35;
	v23 =	vmul.f32 $1.442695020e+00, v13;
	v20 =	vpop (erf);
	v13 =	vmul.f32 v34, v25  }
0x196: {  	s22 =	sshll.u32 s19, $0x7;
	v16 =	vmul.f32 v15, v16;
	v38 =	vadd.f32 $1.000000000e+00, v20;
	v20 =	vpop (erf);
	(erf) = vrcp.f32 v63  }
0x197: {  	s23 =	simm.s32 $0x18540;
	s28 =	simm.s32 $0x80;
	s25 =	simm.s32 $0x8;
	v21 =	vand.u32 $0x7FFFFFFF, v30;
	v15 =	vmul.f32 v46, v42;
	v34 =	vld [tilespmem:s5+$0x40];
	v32 =	vpop (erf);
	(erf) = vrcp.f32 v35  }
0x198: {  	s26 =	simm.s32 $0x100;
	s24 =	simm.s32 $0x185C0;
	[tilespmem:s23+$0xFFFFFFE0] =	vst v30;
	v30 =	vld.idx.msk [tilespmem:v44+s4+$0x0], $0xffff;
	s5 =	sadd.s32 $0x400, s5;
	v16 =	vmul.f32 v41, v16;
	v35 =	vor.u32 s28, v5;
	(erf) = vpow2.f32 v39;
	v25 =	vpop (erf)  }
.LBB2_10:
0x199: {  	s1 =	sadd.s32 $0x10, s26;
	s2 =	sadd.s32 $0x20, s26;
	v39 =	vld [tilespmem:s5+$0xFFFFE020];
	s6 =	sadd.s32 $0x30, s26;
	v37 =	vmul.f32 v31, v37;
	v18 =	vadd.f32 $1.000000000e+00, v18;
	(erf) = vrcp.f32 v38  }
0x19a: {  	s25 =	sadd.s32 $0x8, s25;
	v38 =	vld [tilespmem:s5+$0x0];
	v40 =	vor.u32 s1, v5;
	v41 =	vor.u32 s2, v5;
	s1 =	sadd.s32 $0x40, s26;
	s2 =	sadd.s32 $0x70, s26;
	(erf) = vpow2.f32 v26  }
0x19b: {  	v28 =	vmul.f32 v25, v28;
	p0 =	slt.u32 s25, $0x38;
	v26 =	vld [tilespmem:s5+$0x20];
	v22 =	vor.u32 s1, v5;
	(erf) = vpow2.f32 v29  }
0x19c: {  	v31 =	vor.u32 s6, v5;
	s1 =	sadd.s32 $0x50, s26;
	v25 =	vld [tilespmem:s5+$0xFFFFE030];
	v29 =	vmul.f32 v34, v11;
	(erf) = vrcp.f32 v36  }
0x19d: {  	v34 =	vor.u32 s1, v5;
	v35 =	vld.idx.msk [tilespmem:v35+s4+$0x0], $0xffff;
	(erf) = vpow2.f32 v33;
	[tilespmem:s23+$0xFFFFFFC0] =	vst v28;
	v28 =	vand.u32 $0x7FFFFFFF, v28  }
0x19e: {  	s1 =	sadd.s32 $0x60, s26;
	v33 =	vmul.f32 v39, v4;
	v11 =	vld [tilespmem:s5+$0xFFFFE040];
	v27 =	vmax.f32 v27, v28;
	(erf) = vrcp.f32 v18;
	v18 =	vpop (erf)  }
0x19f: {  	v36 =	vor.u32 s1, v5;
	v28 =	vld [tilespmem:s5+$0xFFFFE000];
	(erf) = vpow2.f32 v24;
	v24 =	vpop (erf);
	v42 =	vmul.f32 v18, v14  }
0x1a0: {  	v14 =	vld [tilespmem:s5+$0x10];
	v47 =	vmul.f32 $1.442695020e+00, v33;
	v33 =	vor.u32 s2, v5;
	v43 =	vmul.f32 v24, v19;
	v19 =	vpop (erf)  }
0x1a1: {  	v32 =	vadd.f32 $1.000000000e+00, v32;
	v29 =	vmul.f32 v30, v29;
	v41 =	vld.idx.msk [tilespmem:v41+s4+$0x0], $0xffff;
	v24 =	vmul.f32 v25, v4;
	v30 =	vpop (erf);
	[tilespmem:s23+$0x20] =	vst v42  }
0x1a2: {  	v19 =	vmul.f32 v19, v6;
	v6 =	vmov v17;
	v44 =	vld [tilespmem:s5+$0xFFFFE010];
	(erf) = vpow2.f32 v47;
	[tilespmem:s24+$0xFFFFFFE0] =	vst v43;
	v45 =	vpop (erf)  }
0x1a3: {  	v20 =	vmul.f32 v20, v9;
	v9 =	vmov v37;
	v17 =	vmul.f32 $1.442695020e+00, v24;
	v46 =	vld [tilespmem:s5+$0xFFFFE050];
	v18 =	vpop (erf)  }
0x1a4: {  	v24 =	vmul.f32 v11, v4;
	v37 =	vld [tilespmem:s5+$0xFFFFE060];
	v47 =	vpop (erf);
	(erf) = vpow2.f32 v23;
	[tilespmem:s23+$0xFFFFFFD0] =	vst v19;
	v19 =	vand.u32 $0x7FFFFFFF, v19  }
0x1a5: {  	v23 =	vmul.f32 v38, v28;
	v38 =	vmul.f32 v26, v39;
	v19 =	vmax.f32 v27, v19;
	[tilespmem:s23+$0xFFFFFFF0] =	vst v20;
	v27 =	vpop (erf)  }
0x1a6: {  	v39 =	vld.idx.msk [tilespmem:v40+s4+$0x0], $0xffff;
	v40 =	vmul.f32 $1.442695020e+00, v24;
	v48 =	vpop (erf);
	v19 =	vmax.f32 v19, v21;
	v21 =	vmul.f32 v45, v7  }
0x1a7: {  	v47 =	vadd.f32 $1.000000000e+00, v47;
	v24 =	vmul.f32 v28, v4;
	v45 =	vld.idx.msk [tilespmem:v33+s4+$0x0], $0xffff;
	(erf) = vrcp.f32 v32;
	v7 =	vpop (erf)  }
0x1a8: {  	v20 =	vand.u32 $0x7FFFFFFF, v20;
	v26 =	vmul.f32 v46, v4;
	v32 =	vld [tilespmem:s5+$0x70];
	v28 =	vpop (erf);
	v33 =	vmul.f32 v7, v8;
	[tilespmem:s23+$0x30] =	vst v21  }
0x1a9: {  	v49 =	vmul.f32 v14, v44;
	v7 =	vmovc v13;
	v8 =	vmovc v15;
	v51 =	vmul.f32 v37, v4;
	v50 =	vld [tilespmem:s5+$0xFFFFE070];
	v28 =	vadd.f32 $1.000000000e+00, v28  }
0x1aa: {  	v15 =	vmax.f32 v19, v20;
	v19 =	vmul.f32 v27, v10;
	v10 =	vmovc v29;
	v13 =	vld [tilespmem:s5+$0x50];
	v26 =	vmul.f32 $1.442695020e+00, v26;
	[tilespmem:s23+$0x10] =	vst v33  }
0x1ab: {  	v27 =	vld.idx.msk [tilespmem:v34+s4+$0x0], $0xffff;
	v29 =	vmul.f32 $1.442695020e+00, v51;
	v20 =	vpop (erf);
	(erf) = vpow2.f32 v17;
	v17 =	vand.u32 $0x7FFFFFFF, v33  }
0x1ac: {  	v14 =	vmovc v16;
	v33 =	vmul.f32 v44, v4;
	(erf) = vrcp.f32 v28;
	[tilespmem:s23+$0x0] =	vst v19;
	v19 =	vand.u32 $0x7FFFFFFF, v19;
	s23 =	smov.u32 s24  }
0x1ad: {  	v24 =	vmul.f32 $1.442695020e+00, v24;
	v28 =	vmul.f32 v35, v12;
	v16 =	vpop (erf);
	v19 =	vmax.f32 v15, v19  }
0x1ae: {  	v34 =	vadd.f32 $1.000000000e+00, v20;
	v12 =	vmovc v23;
	v15 =	vld [tilespmem:s5+$0x60];
	v44 =	vmul.f32 v50, v4;
	v35 =	vmax.f32 v19, v17  }
0x1af: {  	v17 =	vmul.f32 v39, v49;
	v32 =	vmul.f32 v32, v50;
	v39 =	vld.idx.msk [tilespmem:v36+s4+$0x0], $0xffff;
	v36 =	vand.u32 $0x7FFFFFFF, v42  }
0x1b0: {  	v21 =	vand.u32 $0x7FFFFFFF, v21;
	v19 =	vmul.f32 v41, v38;
	v41 =	vld [tilespmem:s5+$0x30];
	v23 =	vmul.f32 $1.442695020e+00, v44;
	v20 =	vpop (erf)  }
0x1b1: {  	v33 =	vmul.f32 $1.442695020e+00, v33;
	v42 =	vadd.f32 $1.000000000e+00, v48;
	v35 =	vmax.f32 v35, v36;
	v31 =	vld.idx.msk [tilespmem:v31+s4+$0x0], $0xffff  }
.Ltmp3:
0x1b2: {  	v38 =	vadd.f32 $1.000000000e+00, v16;
	v44 =	vmul.f32 v13, v46;
	v13 =	vmul.f32 v45, v32;
	(pc) =	sbr.rel @p0 .LBB2_10-.Ltmp3, $4  }
0x1b3: {  	v36 =	vadd.f32 $1.000000000e+00, v30;
	v16 =	vmul.f32 v15, v37;
	(erf) = vrcp.f32 v47  }
0x1b4: {  	v15 =	vmul.f32 v27, v44;
	v27 =	vmax.f32 v35, v21;
	(erf) = vrcp.f32 v34;
	v32 =	vpop (erf)  }
0x1b5: {  	v21 =	vand.u32 $0x7FFFFFFF, v43;
	v37 =	vmul.f32 v41, v25;
	v34 =	vld [tilespmem:s5+$0x40];
	v25 =	vpop (erf);
	(erf) = vrcp.f32 v42  }
0x1b6: {  	s24 =	sadd.s32 $0x80, s24;
	v35 =	vor.u32 s26, v5;
	s26 =	sadd.s32 $0x80, s26;
	v16 =	vmul.f32 v39, v16;
	s5 =	sadd.s32 $0x400, s5;
	v30 =	vld.idx.msk [tilespmem:v22+s4+$0x0], $0xffff;
	(erf) = vpow2.f32 v40  }
0x1b7: {  	(erf) = vrcp.f32 v38  }
0x1b8: {  	v5 =	vadd.f32 $1.000000000e+00, v18;
	(erf) = vpow2.f32 v26  }
0x1b9: {  	(erf) = vpow2.f32 v29  }
0x1ba: {  	(erf) = vrcp.f32 v36  }
0x1bb: {  	(erf) = vpow2.f32 v33  }
0x1bc: {  	(erf) = vrcp.f32 v5;
	v5 =	vpop (erf)  }
0x1bd: {  	(erf) = vpow2.f32 v24;
	v18 =	vpop (erf)  }
0x1be: {  	v22 =	vpop (erf)  }
0x1bf: {  	v57 =	vpop (erf)  }
0x1c0: {  	v58 =	vpop (erf)  }
0x1c1: {  	v59 =	vpop (erf);
	(erf) = vpow2.f32 v23  }
0x1c2: {  	v60 =	vpop (erf)  }
0x1c3: {  	v61 =	vpop (erf)  }
0x1c4: {  	v62 =	vpop (erf)  }
0x1c5: {  	v63 =	vpop (erf)  }
0x1c6: {  	v32 =	vadd.f32 $1.000000000e+00, v32;
	v39 =	vpop (erf)  }
0x1c7: {  	v25 =	vmul.f32 v25, v28;
	v39 =	vadd.f32 $1.000000000e+00, v39  }
0x1c8: {  	v23 =	vadd.f32 $1.000000000e+00, v60;
	(erf) = vrcp.f32 v32  }
0x1c9: {  	v43 =	vand.u32 $0x7FFFFFFF, v25;
	v40 =	vadd.f32 $1.000000000e+00, v62;
	(erf) = vrcp.f32 v39  }
0x1ca: {  	v9 =	vmul.f32 v20, v9;
	v46 =	vmax.f32 v27, v43;
	(erf) = vrcp.f32 v23;
	v41 =	vpop (erf)  }
0x1cb: {  	v6 =	vmul.f32 v22, v6;
	v23 =	vadd.f32 $1.000000000e+00, v41;
	(erf) = vrcp.f32 v40  }
0x1cc: {  	v5 =	vmul.f32 v5, v14;
	v18 =	vmul.f32 v18, v19;
	v24 =	vadd.f32 $1.000000000e+00, v57  }
0x1cd: {  	v44 =	vld.idx.msk [tilespmem:v35+s4+$0x0], $0xffff;
	v14 =	vand.u32 $0x7FFFFFFF, v6;
	v45 =	vadd.f32 $1.000000000e+00, v59;
	(erf) = vrcp.f32 v23  }
0x1ce: {  	v14 =	vmax.f32 v46, v14;
	v10 =	vmul.f32 v61, v10;
	(erf) = vrcp.f32 v24  }
0x1cf: {  	v19 =	vand.u32 $0x7FFFFFFF, v9;
	v14 =	vmax.f32 v14, v21;
	(erf) = vrcp.f32 v45  }
0x1d0: {  	v14 =	vmax.f32 v14, v19;
	v19 =	vand.u32 $0x7FFFFFFF, v10  }
0x1d1: {  	v42 =	vmul.f32 v31, v37;
	v8 =	vmul.f32 v63, v8;
	v20 =	vpop (erf)  }
0x1d2: {  	v11 =	vmul.f32 v34, v11;
	v12 =	vmul.f32 v44, v12;
	v47 =	vpop (erf)  }
0x1d3: {  	v7 =	vmul.f32 v58, v7;
	v14 =	vmax.f32 v14, v19;
	v48 =	vand.u32 $0x7FFFFFFF, v8;
	v19 =	vpop (erf)  }
0x1d4: {  	v49 =	vand.u32 $0x7FFFFFFF, v5;
	v14 =	vmax.f32 v14, v48;
	v12 =	vmul.f32 v47, v12;
	v50 =	vpop (erf)  }
0x1d5: {  	v51 =	vand.u32 $0x7FFFFFFF, v7;
	v14 =	vmax.f32 v14, v49;
	v17 =	vmul.f32 v50, v17  }
0x1d6: {  	v11 =	vmul.f32 v30, v11;
	v14 =	vmax.f32 v14, v51;
	v52 =	vand.u32 $0x7FFFFFFF, v12;
	v53 =	vpop (erf)  }
0x1d7: {  	v20 =	vmul.f32 v20, v42;
	v14 =	vmax.f32 v14, v52;
	v54 =	vand.u32 $0x7FFFFFFF, v17;
	v55 =	vpop (erf)  }
0x1d8: {  	v56 =	vand.u32 $0x7FFFFFFF, v18;
	v14 =	vmax.f32 v14, v54;
	v57 =	vpop (erf);
	v11 =	vmul.f32 v55, v11  }
0x1d9: {  	v58 =	vand.u32 $0x7FFFFFFF, v20;
	v14 =	vmax.f32 v14, v56;
	v15 =	vmul.f32 v57, v15  }
0x1da: {  	v16 =	vmul.f32 v19, v16;
	v14 =	vmax.f32 v14, v58;
	v19 =	vand.u32 $0x7FFFFFFF, v11  }
0x1db: {  	v13 =	vmul.f32 v53, v13;
	v21 =	vand.u32 $0x7FFFFFFF, v15;
	v14 =	vmax.f32 v14, v19  }
0x1dc: {  	v19 =	vand.u32 $0x7FFFFFFF, v16;
	v14 =	vmax.f32 v14, v21  }
0x1dd: {  	v59 =	vand.u32 $0x7FFFFFFF, v13;
	v14 =	vmax.f32 v14, v19  }
0x1de: {  	[tilespmem:s23+$0xFFFFFFC0] =	vst v25;
	v14 =	vmax.f32 v14, v59  }
0x1df: {  	[tilespmem:s23+$0xFFFFFFF0] =	vst v9;
	(xrf0) =	vmax.scan.msk.f32 $0xffff, v14  }
0x1e0: {  	[tilespmem:s23+$0x20] =	vst v5  }
0x1e1: {  	[tilespmem:s24+$0xFFFFFFE0] =	vst v18  }
0x1e2: {  	[tilespmem:s23+$0xFFFFFFD0] =	vst v6  }
0x1e3: {  	[tilespmem:s23+$0x30] =	vst v7  }
0x1e4: {  	[tilespmem:s23+$0x0] =	vst v10  }
0x1e5: {  	[tilespmem:s23+$0x10] =	vst v8;
	v5, _, _ =	vpop (xrf0)  }
0x1e6: {  	[tilespmem:s24+$0xFFFFFFF0] =	vst v20;
	v5 =	vbroadcast v5, $0xF  }
0x1e7: {  	s1 =	sor.u32 s20, s19;
	[tilespmem:s24+$0xFFFFFFC0] =	vst v12  }
0x1e8: {  	v6 =	vmov s1;
	[tilespmem:s24+$0x20] =	vst v16;
	v5 =	vmul.f32 v5, v1  }
0x1e9: {  	[tilespmem:s24+$0xFFFFFFD0] =	vst v17  }
0x1ea: {  	[tilespmem:s24+$0x30] =	vst v13;
	v5 =	vmax.f32 v5, $9.999999930e-09  }
0x1eb: {  	[tilespmem:s24+$0x0] =	vst v11;
	(erf) = vrcp.f32 v5  }
0x1ec: {  	[tilespmem:s24+$0x10] =	vst v15  }
0x1ed: {  	s5 =	simm.s32 $0x0;
	s23 =	simm.s32 $0x18710;
	[tilespmem:v6+s21+$0x0] =	vst.idx.msk $0x1, v5  }
0x1ee: {  	s26 =	sand.u32 $0xC0, s5;
	v5 =	vld [tilespmem:s23+$0xFFFFFDF0]  }
0x1ef: {  	v7 =	vld [tilespmem:s26+$0x18600]  }
0x1f0: {  	v8 =	vld [tilespmem:s26+$0x18700]  }
0x1f1: {  	v9 =	vld [tilespmem:s23+$0xFFFFFF00]  }
0x1f2: {  	v10 =	vld [tilespmem:s26+$0x18800]  }
0x1f3: {  	v11 =	vld [tilespmem:s23+$0xFFFFFF10]  }
0x1f4: {  	v13 =	vld [tilespmem:s23+$0xFFFFFF20];
	v6 =	vpop (erf)  }
0x1f5: {  	v5 =	vmul.f32 v5, v6  }
0x1f6: {  	v7 =	vmul.f32 v7, v6;
	v8 =	vmul.f32 v8, v6  }
0x1f7: {  	v9 =	vmul.f32 v9, v6;
	v10 =	vmul.f32 v10, v6  }
0x1f8: {  	v11 =	vmul.f32 v11, v6;
	v12 =	vadd.f32 $1.258291200e+07, v5;
	v7 =	vadd.f32 $1.258291200e+07, v7  }
0x1f9: {  	v13 =	vmul.f32 v13, v6;
	v8 =	vadd.f32 $1.258291200e+07, v8;
	v9 =	vadd.f32 $1.258291200e+07, v9  }
0x1fa: {  	v10 =	vadd.f32 $1.258291200e+07, v10;
	v11 =	vadd.f32 $1.258291200e+07, v11  }
0x1fb: {  	v13 =	vadd.f32 $1.258291200e+07, v13;
	v12 =	vadd.f32 $-1.258291200e+07, v12  }
0x1fc: {  	v7 =	vadd.f32 $-1.258291200e+07, v7;
	v8 =	vadd.f32 $-1.258291200e+07, v8  }
0x1fd: {  	v10 =	vadd.f32 $-1.258291200e+07, v10;
	v9 =	vadd.f32 $-1.258291200e+07, v9;
	v12 =	vtrunc.f32 v12  }
0x1fe: {  	v14 =	vld [tilespmem:s23+$0xFFFFFE00];
	v11 =	vadd.f32 $-1.258291200e+07, v11;
	v7 =	vtrunc.f32 v7;
	v8 =	vtrunc.f32 v8  }
0x1ff: {  	v15 =	vld [tilespmem:s23+$0x0];
	v10 =	vtrunc.f32 v10;
	v9 =	vtrunc.f32 v9  }
0x200: {  	v16 =	vld [tilespmem:s23+$0xFFFFFE10];
	v13 =	vadd.f32 $-1.258291200e+07, v13;
	v11 =	vtrunc.f32 v11;
	v7 =	vcvt.f32.s32 v7  }
0x201: {  	v18 =	vld [tilespmem:s23+$0xFFFFFE20];
	v5 =	vmov s22;
	v12 =	vcvt.f32.s32 v12;
	v8 =	vcvt.f32.s32 v8  }
0x202: {  	v60 =	vld [tilespmem:s23+$0x110];
	v13 =	vtrunc.f32 v13;
	v10 =	vcvt.f32.s32 v10;
	v7 =	vshll.u32 v7, $0x8  }
0x203: {  	v17 =	vld [tilespmem:s23+$0x10];
	v12 =	vand.u32 $0xFF, v12;
	v8 =	vshll.u32 v8, $0x10;
	v7 =	vand.u32 $0xFF00, v7  }
0x204: {  	v19 =	vld [tilespmem:s23+$0x20];
	v9 =	vcvt.f32.s32 v9;
	v8 =	vand.u32 $0xFF0000, v8;
	v7 =	vor.u32 v12, v7  }
0x205: {  	v20 =	vld [tilespmem:s23+$0x100];
	v11 =	vcvt.f32.s32 v11;
	v12 =	vmul.f32 v14, v6;
	v7 =	vor.u32 v8, v7  }
0x206: {  	v8 =	vshll.u32 v10, $0x18;
	v10 =	vmul.f32 v15, v6;
	v15 =	vmul.f32 v18, v6  }
0x207: {  	v18 =	vmul.f32 v60, v6;
	v61 =	vor.u32 v8, v7;
	v7 =	vmul.f32 v16, v6  }
0x208: {  	v14 =	vld [tilespmem:s23+$0x120];
	v8 =	vmul.f32 v17, v6;
	v12 =	vadd.f32 $1.258291200e+07, v12;
	v10 =	vadd.f32 $1.258291200e+07, v10  }
0x209: {  	v16 =	vmul.f32 v19, v6;
	v15 =	vadd.f32 $1.258291200e+07, v15;
	v18 =	vadd.f32 $1.258291200e+07, v18  }
0x20a: {  	v17 =	vmul.f32 v20, v6;
	v7 =	vadd.f32 $1.258291200e+07, v7;
	v8 =	vadd.f32 $1.258291200e+07, v8  }
0x20b: {  	v63 =	vshll.u32 v11, $0x8;
	v16 =	vadd.f32 $1.258291200e+07, v16;
	v12 =	vadd.f32 $-1.258291200e+07, v12  }
0x20c: {  	v19 =	vcvt.f32.s32 v13;
	v17 =	vadd.f32 $1.258291200e+07, v17;
	v10 =	vadd.f32 $-1.258291200e+07, v10  }
0x20d: {  	v14 =	vmul.f32 v14, v6;
	v15 =	vadd.f32 $-1.258291200e+07, v15;
	v18 =	vadd.f32 $-1.258291200e+07, v18  }
0x20e: {  	v7 =	vadd.f32 $-1.258291200e+07, v7;
	v8 =	vadd.f32 $-1.258291200e+07, v8;
	v12 =	vtrunc.f32 v12  }
0x20f: {  	v16 =	vadd.f32 $-1.258291200e+07, v16;
	v10 =	vtrunc.f32 v10;
	v15 =	vtrunc.f32 v15  }
0x210: {  	v13 =	vadd.f32 $1.258291200e+07, v14;
	v20 =	vcvt.f32.s32 v12;
	v11 =	vtrunc.f32 v18  }
0x211: {  	s28 =	simm.s32 $0x30;
	v14 =	vadd.f32 $-1.258291200e+07, v17;
	v7 =	vtrunc.f32 v7;
	v17 =	vtrunc.f32 v8  }
0x212: {  	s2 =	simm.s32 $0x10;
	s6 =	simm.s32 $0x20;
	s22 =	simm.s32 $0x0;
	v62 =	vshll.u32 v9, $0x8;
	v12 =	vtrunc.f32 v16;
	v8 =	vcvt.f32.s32 v10  }
0x213: {  	s2 =	sand.u32 $0x50, s2;
	s5 =	sand.u32 $0x40, s5;
	s7 =	sand.u32 $0x400, s22;
	v16 =	vadd.f32 $-1.258291200e+07, v13;
	v9 =	vcvt.f32.s32 v7;
	v13 =	vcvt.f32.s32 v17  }
0x214: {  	s6 =	sand.u32 $0x60, s6;
	s1 =	sand.u32 $0x70, s28;
	s7 =	sor.u32 $0x19100, s7;
	v10 =	vand.u32 $0xFF00, v62;
	v7 =	vcvt.f32.s32 v15;
	v14 =	vtrunc.f32 v14  }
0x215: {  	s24 =	simm.s32 $0x0;
	s25 =	sor.u32 s5, s7;
	s9 =	sor.u32 s2, s7;
	v17 =	vshll.u32 v19, $0x8;
	v15 =	vcvt.f32.s32 v12;
	v18 =	vand.u32 $0xFF, v20  }
0x216: {  	s5 =	sor.u32 s6, s7;
	s26 =	sor.u32 s1, s7;
	[tilespmem:v5+s25+$0x0 ss:$0x1] =	vst.idx.msk $0xffff, v61;
	s25 =	simm.s32 $0x70;
	v17 =	vand.u32 $0xFF00, v17;
	v12 =	vtrunc.f32 v16;
	v16 =	vand.u32 $0xFF00, v63  }
.LBB2_12:
0x217: {  	s28 =	sadd.s32 $0xFFFFFFD0, s25;
	s24 =	sadd.s32 $0x4, s24;
	v8 =	vshll.u32 v8, $0x10;
	v9 =	vand.u32 $0xFF, v9;
	v13 =	vshll.u32 v13, $0x10;
	s23 =	sadd.s32 $0x40, s23  }
0x218: {  	s1 =	sadd.s32 $0xFFFFFFE0, s25;
	v14 =	vcvt.f32.s32 v14;
	v7 =	vand.u32 $0xFF, v7;
	v15 =	vshll.u32 v15, $0x10;
	v19 =	vld [tilespmem:s23+$0xFFFFFDF0];
	s7 =	sand.u32 $0xC0, s28;
	p0 =	slt.u32 s24, $0xC  }
0x219: {  	s6 =	sadd.s32 $0xFFFFFFF0, s25;
	s2 =	sand.u32 $0x70, s25;
	v10 =	vor.u32 v18, v10;
	v11 =	vcvt.f32.s32 v11;
	v12 =	vcvt.f32.s32 v12;
	s1 =	sand.u32 $0x50, s1;
	v20 =	vld [tilespmem:s7+$0x18600]  }
0x21a: {  	s6 =	sand.u32 $0x60, s6;
	v8 =	vand.u32 $0xFF0000, v8;
	v9 =	vor.u32 v9, v16;
	v7 =	vor.u32 v7, v17;
	v18 =	vld [tilespmem:s7+$0x18700]  }
0x21b: {  	v8 =	vor.u32 v8, v10;
	v10 =	vand.u32 $0xFF0000, v13;
	v13 =	vand.u32 $0xFF0000, v15;
	v16 =	vld [tilespmem:s23+$0xFFFFFF00]  }
0x21c: {  	v14 =	vshll.u32 v14, $0x18;
	v9 =	vor.u32 v10, v9;
	v7 =	vor.u32 v13, v7;
	v15 =	vld [tilespmem:s7+$0x18800]  }
0x21d: {  	v11 =	vshll.u32 v11, $0x18;
	v12 =	vshll.u32 v12, $0x18;
	v10 =	vmul.f32 v19, v6;
	v13 =	vld [tilespmem:s23+$0xFFFFFF10]  }
0x21e: {  	v8 =	vor.u32 v14, v8;
	v9 =	vor.u32 v11, v9;
	v17 =	vmul.f32 v20, v6;
	v19 =	vld [tilespmem:s23+$0xFFFFFF20]  }
0x21f: {  	v7 =	vor.u32 v12, v7;
	v10 =	vadd.f32 $1.258291200e+07, v10;
	v11 =	vmul.f32 v18, v6;
	v14 =	vld [tilespmem:s23+$0xFFFFFE00];
	[tilespmem:v5+s9+$0x0 ss:$0x1] =	vst.idx.msk $0xffff, v8  }
0x220: {  	v8 =	vadd.f32 $1.258291200e+07, v17;
	v12 =	vmul.f32 v16, v6;
	v16 =	vld [tilespmem:s23+$0x0];
	[tilespmem:v5+s5+$0x0 ss:$0x1] =	vst.idx.msk $0xffff, v9  }
0x221: {  	v9 =	vadd.f32 $-1.258291200e+07, v10;
	v10 =	vadd.f32 $1.258291200e+07, v11;
	v11 =	vmul.f32 v15, v6;
	v15 =	vld [tilespmem:s23+$0xFFFFFE10];
	[tilespmem:v5+s26+$0x0 ss:$0x1] =	vst.idx.msk $0xffff, v7  }
0x222: {  	v7 =	vadd.f32 $-1.258291200e+07, v8;
	v8 =	vadd.f32 $1.258291200e+07, v12;
	v12 =	vmul.f32 v13, v6;
	v13 =	vld [tilespmem:s23+$0x10]  }
0x223: {  	v9 =	vtrunc.f32 v9;
	v10 =	vadd.f32 $-1.258291200e+07, v10;
	v11 =	vadd.f32 $1.258291200e+07, v11;
	v17 =	vld [tilespmem:s23+$0xFFFFFE20]  }
0x224: {  	v9 =	vcvt.f32.s32 v9;
	v7 =	vtrunc.f32 v7;
	v12 =	vadd.f32 $1.258291200e+07, v12;
	v18 =	vld [tilespmem:s23+$0x20]  }
0x225: {  	v7 =	vcvt.f32.s32 v7;
	v10 =	vtrunc.f32 v10;
	v11 =	vadd.f32 $-1.258291200e+07, v11;
	v20 =	vld [tilespmem:s23+$0x100]  }
0x226: {  	v19 =	vmul.f32 v19, v6;
	v8 =	vadd.f32 $-1.258291200e+07, v8;
	v10 =	vcvt.f32.s32 v10;
	v21 =	vld [tilespmem:s23+$0x110]  }
0x227: {  	v9 =	vand.u32 $0xFF, v9;
	v7 =	vshll.u32 v7, $0x8;
	v11 =	vtrunc.f32 v11;
	v22 =	vld [tilespmem:s23+$0x120]  }
0x228: {  	s22 =	sadd.s32 $0x200, s22;
	v7 =	vand.u32 $0xFF00, v7;
	v10 =	vshll.u32 v10, $0x10;
	v11 =	vcvt.f32.s32 v11  }
0x229: {  	s5 =	sand.u32 $0x400, s22;
	v7 =	vor.u32 v9, v7;
	v9 =	vand.u32 $0xFF0000, v10;
	v10 =	vmul.f32 v14, v6  }
0x22a: {  	s7 =	sand.u32 $0x40, s28;
	s26 =	sor.u32 $0x19100, s5;
	v7 =	vor.u32 v9, v7;
	v9 =	vshll.u32 v11, $0x18;
	v11 =	vmul.f32 v16, v6  }
0x22b: {  	s7 =	sor.u32 s7, s26;
	s9 =	sor.u32 s1, s26;
	s5 =	sor.u32 s6, s26;
	v13 =	vmul.f32 v13, v6;
	v7 =	vor.u32 v9, v7;
	v9 =	vmul.f32 v15, v6  }
0x22c: {  	s26 =	sor.u32 s2, s26;
	v14 =	vadd.f32 $1.258291200e+07, v19;
	v15 =	vmul.f32 v18, v6;
	[tilespmem:v5+s7+$0x0 ss:$0x1] =	vst.idx.msk $0xffff, v7;
	v7 =	vmul.f32 v17, v6  }
0x22d: {  	v16 =	vmul.f32 v20, v6;
	v10 =	vadd.f32 $1.258291200e+07, v10;
	v11 =	vadd.f32 $1.258291200e+07, v11  }
0x22e: {  	v13 =	vadd.f32 $1.258291200e+07, v13;
	v17 =	vmul.f32 v21, v6;
	v9 =	vadd.f32 $1.258291200e+07, v9  }
0x22f: {  	v18 =	vmul.f32 v22, v6;
	v15 =	vadd.f32 $1.258291200e+07, v15;
	v7 =	vadd.f32 $1.258291200e+07, v7  }
0x230: {  	v8 =	vtrunc.f32 v8;
	v12 =	vadd.f32 $-1.258291200e+07, v12;
	v14 =	vadd.f32 $-1.258291200e+07, v14  }
0x231: {  	v8 =	vcvt.f32.s32 v8;
	v10 =	vadd.f32 $-1.258291200e+07, v10;
	v11 =	vadd.f32 $-1.258291200e+07, v11  }
0x232: {  	v12 =	vtrunc.f32 v12;
	v13 =	vadd.f32 $-1.258291200e+07, v13;
	v9 =	vadd.f32 $-1.258291200e+07, v9  }
0x233: {  	v14 =	vtrunc.f32 v14;
	v15 =	vadd.f32 $-1.258291200e+07, v15;
	v7 =	vadd.f32 $-1.258291200e+07, v7  }
0x234: {  	v12 =	vcvt.f32.s32 v12;
	v16 =	vadd.f32 $1.258291200e+07, v16;
	v17 =	vadd.f32 $1.258291200e+07, v17  }
0x235: {  	v19 =	vcvt.f32.s32 v14;
	v14 =	vadd.f32 $1.258291200e+07, v18;
	v10 =	vtrunc.f32 v10  }
0x236: {  	v16 =	vadd.f32 $-1.258291200e+07, v16;
	v11 =	vtrunc.f32 v11;
	v9 =	vtrunc.f32 v9  }
0x237: {  	v13 =	vtrunc.f32 v13;
	v17 =	vadd.f32 $-1.258291200e+07, v17;
	v7 =	vtrunc.f32 v7  }
0x238: {  	v18 =	vcvt.f32.s32 v10;
	v20 =	vadd.f32 $-1.258291200e+07, v14;
	v10 =	vtrunc.f32 v15  }
.Ltmp4:
0x239: {  	v21 =	vshll.u32 v8, $0x8;
	v8 =	vcvt.f32.s32 v11;
	v9 =	vcvt.f32.s32 v9;
	(pc) =	sbr.rel @p0 .LBB2_12-.Ltmp4, $4  }
0x23a: {  	v22 =	vshll.u32 v12, $0x8;
	v13 =	vcvt.f32.s32 v13;
	v7 =	vcvt.f32.s32 v7  }
0x23b: {  	v14 =	vtrunc.f32 v16;
	v19 =	vshll.u32 v19, $0x8;
	v15 =	vcvt.f32.s32 v10  }
0x23c: {  	v10 =	vand.u32 $0xFF00, v21;
	v11 =	vtrunc.f32 v17;
	v12 =	vtrunc.f32 v20  }
0x23d: {  	s25 =	sadd.s32 $0x40, s25;
	v16 =	vand.u32 $0xFF00, v22;
	v18 =	vand.u32 $0xFF, v18;
	v17 =	vand.u32 $0xFF00, v19  }
0x23e: {  	v6 =	vshll.u32 v8, $0x10  }
0x23f: {  	v57 =	vand.u32 $0xFF, v9;
	v58 =	vshll.u32 v13, $0x10;
	v59 =	vcvt.f32.s32 v14  }
0x240: {  	v7 =	vand.u32 $0xFF, v7;
	v60 =	vshll.u32 v15, $0x10;
	v10 =	vor.u32 v18, v10  }
0x241: {  	v11 =	vcvt.f32.s32 v11;
	v12 =	vcvt.f32.s32 v12;
	s19 =	sadd.s32 $0x1, s19;
	v6 =	vand.u32 $0xFF0000, v6  }
0x242: {  	v8 =	vor.u32 v57, v16;
	v7 =	vor.u32 v7, v17;
	v9 =	vand.u32 $0xFF0000, v58;
	p0 =	sne.s32 s19, $0x8  }
.Ltmp5:
0x243: {  	v61 =	vand.u32 $0xFF0000, v60;
	v6 =	vor.u32 v6, v10;
	v13 =	vshll.u32 v59, $0x18;
	(pc) =	sbr.rel @p0 .LBB2_9-.Ltmp5, $4  }
0x244: {  	v8 =	vor.u32 v9, v8;
	v62 =	vshll.u32 v11, $0x18;
	v6 =	vor.u32 v13, v6  }
0x245: {  	v7 =	vor.u32 v61, v7;
	v63 =	vshll.u32 v12, $0x18;
	v8 =	vor.u32 v62, v8;
	[tilespmem:v5+s9+$0x0 ss:$0x1] =	vst.idx.msk $0xffff, v6  }
0x246: {  	v6 =	vor.u32 v63, v7;
	[tilespmem:v5+s5+$0x0 ss:$0x1] =	vst.idx.msk $0xffff, v8  }
0x247: {  	s17 =	sadd.s32 $0x80, s17;
	[tilespmem:v5+s26+$0x0 ss:$0x1] =	vst.idx.msk $0xffff, v6  }
0x248: {  	s18 =	sadd.s32 $0x1, s18  }
0x249: {  	p0 =	sne.s32 s18, $0x40  }
.Ltmp6:
0x24a: {  	s1 =	rddreg [dreg:$0x7];
	(pc) =	sbr.rel @p0 .LBB2_2-.Ltmp6, $4  }
0x24b: {  	s1 =	sadd.s32 s1, s20  }
0x24c: {  	s2 =	rddreg [dreg:$0x3];
	s1 =	sshll.u32 s1, $0x5  }
0x24d: {  	s28 =	simm.s32 $0x19100;
	s1 =	sadd.s32 s2, s1  }
0x24e: {  	[hbm4b:s1+s4] =	stream.linear.scatter [tilespmem:s28], [sflag:$0x4], $0x800, $0x38;
	[tilespmem:$0x19D80] =	vst v63  }
0x24f: {  	s1 =	simm.s32 $0x3  }
0x250: {  	_ =	swait.ge [sflag:s1], $0x800  }
0x251: {  	[sflag:s1] =	ssyncset.done $0x0  }
0x252: {  	s25 =	simm.s32 $0x4;
	[sflag:s1] =	ssyncadd.s32 $0xFFFFF800  }
0x253: {  	_ =	swait.ge [sflag:s25], $0x800  }
0x254: {  	[sflag:s25] =	ssyncset.done $0x0  }
0x255: {  	s3 =	simm.s32 $0x5;
	s26 =	rddreg [dreg:$0xc];
	[sflag:s25] =	ssyncadd.s32 $0xFFFFF800  }
0x256: {  	[hbm4b:s26+s4] =	stream.linear.scatter [tilespmem:s21], [sflag:$0x5], $0x400, $0x38;
	[tilespmem:$0x19D80] =	vst v63  }
0x257: {  	_ =	swait.ge [sflag:s3], $0x400  }
0x258: {  	s2 =	rddreg [dreg:$0xe]  }
0x259: {  	s28 =	rddreg [dreg:$0xd];
	s2 =	sadd.s32 $0x1, s2  }
0x25a: {  	p0 =	sne.s32 s2, s28  }
.Ltmp7:
0x25b: {  	_ = 	snop;
	(pc) =	sbr.rel @p0 .LBB2_1-.Ltmp7, $3  }
0x25c: {  	_ =	sdelay $0x1  }
0x25d: {  	[sflag:s3] =	ssyncset.done $0x0  }
0x25e: {  	[sflag:s3] =	ssyncadd.s32 $0xFFFFFC00  }
0x25f: {  	_ =	sfence.sel $0x180000  }
0x260: {  	[bflag:$0x0] =	sbarrier.arrive $0xFFFF  }
0x261: {  	_ =	strace $0x90000047  }
0x262: {  	s0 =	stileid.u32;
	[bflag:$0x2] =	sbarrier.arrive $0xFFFF  }
0x263: {  	p0 =	sne.s32 s0, $0x0;
	s0 =	rddreg [dreg:$0x5]  }
0x264: {  	s0 =	sadd.s32 @!p0 $0x100000, s0  }
0x265: {  	[sflag:s0] =	ssyncadd.tile.s32 @!p0 $0x1;
	_ =	shalt  }
.Lfunc_end2:
_tile_overlayer_lowered:
.L_overlay_start_2:
0x266: {  	(tag) =	ssettag $0x2  }
0x267: {  	s0 =	rddreg [dreg:$0x0];
	s2 =	stileid.u32  }
0x268: {  	s1 =	rddreg [dreg:$0x1];
	p0 =	sne.s32 s2, $0x0  }
0x269: {  	s3 =	rddreg [dreg:$0x2];
	[bflag:$0x3] =	sbarrier.arrive $0xFFFF;
	s2 =	simm.s32 @!p0 $0x1C05  }
0x26a: {  	[timem:s3], [sflag:s2] =	dma.local @!p0 [hbm:s0], s1  }
0x26b: {  	s0 =	simm.s32 @!p0 $0x5  }
0x26c: {  	_ =	swait.ge @!p0 [sflag:s0], s1  }
0x26d: {  	s1 =	ssub.s32 @!p0 $0x0, s1;
	[sflag:s0] =	ssyncset.done @!p0 $0x0  }
0x26e: {  	[sflag:s0] =	ssyncadd.s32 @!p0 s1  }
0x26f: {  	[bflag:$0x3] =	sbarrier.arrive $0xFFFF  }
0x270: {  	_ =	shalt  }

</sc_bundles>
